<compile_context>
chip_gen: v7x
topology: tpu7x:2x2x1
jax: 0.10.2.dev20260603
libtpu: 0.0.44.dev20260713+nightly
codegen_flags: <defaults>
</compile_context>

<pallas_src>
import functools

import jax
import jax.numpy as jnp
from jax import lax
from jax.experimental import pallas as pl
from jax.experimental.pallas import tpu as pltpu
from jax.experimental.pallas import tpu_sc as plsc

_NSPEC = 119
_TBL = 128
_NC = 2
_NS = 16
_NW = _NC * _NS
_L = 16
_CHUNK = 16384


def _body(n, chunk, x_hbm, z_hbm, scale_hbm, shift_hbm, out_hbm,
          scale_v, shift_v, xb0, xb1, zb0, zb1, ob0, ob1,
          sx0, sx1, sz0, sz1, so0, so1):
    c = lax.axis_index("c")
    s = lax.axis_index("s")
    wid = s * _NC + c
    per_w = n // _NW
    base = wid * per_w
    nchunk = per_w // chunk
    pltpu.sync_copy(scale_hbm, scale_v)
    pltpu.sync_copy(shift_hbm, shift_v)

    xb = (xb0, xb1)
    zb = (zb0, zb1)
    ob = (ob0, ob1)
    sx = (sx0, sx1)
    sz = (sz0, sz1)
    so = (so0, so1)

    def start_in(ci):
        off = base + ci * chunk
        b = ci % 2
        return (pltpu.async_copy(x_hbm.at[pl.ds(off, chunk)], xb[b], sx[b]),
                pltpu.async_copy(z_hbm.at[pl.ds(off, chunk)], zb[b], sz[b]))

    in_copies = [None] * nchunk
    out_copies = [None] * nchunk
    in_copies[0] = start_in(0)
    for ci in range(nchunk):
        b = ci % 2
        if ci + 1 < nchunk:
            in_copies[ci + 1] = start_in(ci + 1)
        cx, cz = in_copies[ci]
        cx.wait()
        cz.wait()
        if ci >= 2:
            out_copies[ci - 2].wait()

        @plsc.parallel_loop(0, chunk, _L, unroll=16)
        def vec_body(i, b=b):
            i = pl.multiple_of(i, _L)
            sl = pl.ds(i, _L)
            zv = zb[b][sl]
            xv = xb[b][sl]
            sv = plsc.load_gather(scale_v, [zv])
            tv = plsc.load_gather(shift_v, [zv])
            ob[b][sl] = sv * xv + tv
        off = base + ci * chunk
        out_copies[ci] = pltpu.async_copy(
            ob[b], out_hbm.at[pl.ds(off, chunk)], so[b])
    if nchunk >= 2:
        out_copies[nchunk - 2].wait()
    out_copies[nchunk - 1].wait()


@functools.partial(jax.jit, static_argnames=("interpret",))
def kernel(x, Z, scale, shift, interpret=False):
    x = x.astype(jnp.float32)
    n = x.shape[0]
    per_w = n // _NW
    chunk = min(_CHUNK, per_w)
    scale_p = jnp.pad(scale.astype(jnp.float32), (0, _TBL - _NSPEC))
    shift_p = jnp.pad(shift.astype(jnp.float32), (0, _TBL - _NSPEC))
    mesh = plsc.VectorSubcoreMesh(core_axis_name="c", subcore_axis_name="s",
                                  num_cores=_NC, num_subcores=_NS)
    f = pl.kernel(
        functools.partial(_body, n, chunk),
        out_type=jax.ShapeDtypeStruct((n,), jnp.float32),
        mesh=mesh,
        interpret=interpret,
        compiler_params=pltpu.CompilerParams(needs_layout_passes=False),
        scratch_types=[
            pltpu.VMEM((_TBL,), jnp.float32),
            pltpu.VMEM((_TBL,), jnp.float32),
            pltpu.VMEM((chunk,), jnp.float32),
            pltpu.VMEM((chunk,), jnp.float32),
            pltpu.VMEM((chunk,), jnp.int32),
            pltpu.VMEM((chunk,), jnp.int32),
            pltpu.VMEM((chunk,), jnp.float32),
            pltpu.VMEM((chunk,), jnp.float32),
            pltpu.SemaphoreType.DMA,
            pltpu.SemaphoreType.DMA,
            pltpu.SemaphoreType.DMA,
            pltpu.SemaphoreType.DMA,
            pltpu.SemaphoreType.DMA,
            pltpu.SemaphoreType.DMA,
        ],
    )
    return f(x, Z.astype(jnp.int32), scale_p, shift_p)

# --- scband reference (transcript-rebuilt; emitter-appended) ---
"""Pipeline reference for scband-per-element-scale-shift-t-34961033790129 (READ-ONLY COPY).

The authoritative reference and input builder live on the scoring server;
editing this copy changes nothing except your own understanding.
"""

import jax, jax.numpy as jnp
import numpy as np

N = 4194304
N_SPECIES = 119

def setup_inputs(seed: int = 0) -> dict:
    key = jax.random.key(seed)
    k1, k2, k3, k4 = jax.random.split(key, 4)
    x = jax.random.normal(k1, (N,), dtype=jnp.float32)
    Z = jax.random.randint(k2, (N,), 0, N_SPECIES, dtype=jnp.int32)
    # learned per-species parameters (nn.Parameter(scale), nn.Parameter(shift))
    scale = jax.random.normal(k3, (N_SPECIES,), dtype=jnp.float32)
    shift = jax.random.normal(k4, (N_SPECIES,), dtype=jnp.float32)
    return {"x": x, "Z": Z, "scale": scale, "shift": shift}

def reference(x, Z, scale, shift):
    x = x.astype(jnp.float32)
    out = jnp.take(scale, Z, axis=0) * x + jnp.take(shift, Z, axis=0)
    return out

if __name__ == "__main__":
    import jax
    _d = setup_inputs()
    print(jax.jit(kernel)(*tuple(_d.values())))

</pallas_src>

<mosaic_0001>
#map = affine_map<(d0, d1) -> (0)>
module attributes {stable_mosaic.version = 14 : i64} {
  func.func @_body(%arg0: i32, %arg1: i32, %arg2: memref<4194304xf32, #tpu.memory_space<hbm>>, %arg3: memref<4194304xi32, #tpu.memory_space<hbm>>, %arg4: memref<128xf32, #tpu.memory_space<hbm>>, %arg5: memref<128xf32, #tpu.memory_space<hbm>>, %arg6: memref<4194304xf32, #tpu.memory_space<hbm>>, %arg7: memref<128xf32, #tpu.memory_space<vmem>>, %arg8: memref<128xf32, #tpu.memory_space<vmem>>, %arg9: memref<16384xf32, #tpu.memory_space<vmem>>, %arg10: memref<16384xf32, #tpu.memory_space<vmem>>, %arg11: memref<16384xi32, #tpu.memory_space<vmem>>, %arg12: memref<16384xi32, #tpu.memory_space<vmem>>, %arg13: memref<16384xf32, #tpu.memory_space<vmem>>, %arg14: memref<16384xf32, #tpu.memory_space<vmem>>, %arg15: memref<!tpu.dma_semaphore, #tpu.memory_space<semaphore_mem>>, %arg16: memref<!tpu.dma_semaphore, #tpu.memory_space<semaphore_mem>>, %arg17: memref<!tpu.dma_semaphore, #tpu.memory_space<semaphore_mem>>, %arg18: memref<!tpu.dma_semaphore, #tpu.memory_space<semaphore_mem>>, %arg19: memref<!tpu.dma_semaphore, #tpu.memory_space<semaphore_mem>>, %arg20: memref<!tpu.dma_semaphore, #tpu.memory_space<semaphore_mem>>) attributes {dimension_semantics = [#tpu.dimension_semantics<core_parallel>, #tpu.dimension_semantics<subcore_parallel>], iteration_bounds = array<i64: 2, 16>, scalar_prefetch = 0 : i64, scratch_operands = 14 : i64, tpu.core_type = #tpu.core_type<sc_vector_subcore>, window_params = [{transform_indices = #map}, {transform_indices = #map}, {transform_indices = #map}, {transform_indices = #map}, {transform_indices = #map}]} {
    %mul3A = arith.constant 2 : i32
    %mul3A_0 = arith.muli %arg1, %mul3A : i32
    %add3A = arith.addi %mul3A_0, %arg0 : i32
    %mul3A_1 = arith.constant 131072 : i32
    %mul3A_2 = arith.muli %add3A, %mul3A_1 : i32
    "tpu.region"() ({
      %run_scoped3A = tpu.sem_alloc : memref<!tpu.dma_semaphore, #tpu.memory_space<semaphore_mem>>
      tpu.enqueue_dma source(%arg4 : memref<128xf32, #tpu.memory_space<hbm>>) target(%arg7 : memref<128xf32, #tpu.memory_space<vmem>>) target_semaphore(%run_scoped3A : memref<!tpu.dma_semaphore, #tpu.memory_space<semaphore_mem>>)
      tpu.wait_dma2 semaphore(%run_scoped3A : memref<!tpu.dma_semaphore, #tpu.memory_space<semaphore_mem>>) src(%arg4 : memref<128xf32, #tpu.memory_space<hbm>>) dst(%arg7 : memref<128xf32, #tpu.memory_space<vmem>>)
      tpu.yield
    }) : () -> ()
    "tpu.region"() ({
      %run_scoped3A = tpu.sem_alloc : memref<!tpu.dma_semaphore, #tpu.memory_space<semaphore_mem>>
      tpu.enqueue_dma source(%arg5 : memref<128xf32, #tpu.memory_space<hbm>>) target(%arg8 : memref<128xf32, #tpu.memory_space<vmem>>) target_semaphore(%run_scoped3A : memref<!tpu.dma_semaphore, #tpu.memory_space<semaphore_mem>>)
      tpu.wait_dma2 semaphore(%run_scoped3A : memref<!tpu.dma_semaphore, #tpu.memory_space<semaphore_mem>>) src(%arg5 : memref<128xf32, #tpu.memory_space<hbm>>) dst(%arg8 : memref<128xf32, #tpu.memory_space<vmem>>)
      tpu.yield
    }) : () -> ()
    %add3A_3 = arith.constant 0 : i32
    %add3A_4 = arith.addi %mul3A_2, %add3A_3 : i32
    %dma_start3A = tpu.memref_slice %arg2[%add3A_4] : memref<4194304xf32, #tpu.memory_space<hbm>> -> memref<16384xf32, #tpu.memory_space<hbm>>
    %dma_start3A_5 = tpu.memref_slice %arg2[%add3A_4] : memref<4194304xf32, #tpu.memory_space<hbm>> -> memref<16384xf32, #tpu.memory_space<hbm>>
    tpu.enqueue_dma source(%dma_start3A_5 : memref<16384xf32, #tpu.memory_space<hbm>>) target(%arg9 : memref<16384xf32, #tpu.memory_space<vmem>>) target_semaphore(%arg15 : memref<!tpu.dma_semaphore, #tpu.memory_space<semaphore_mem>>)
    %dma_start3A_6 = tpu.memref_slice %arg3[%add3A_4] : memref<4194304xi32, #tpu.memory_space<hbm>> -> memref<16384xi32, #tpu.memory_space<hbm>>
    %dma_start3A_7 = tpu.memref_slice %arg3[%add3A_4] : memref<4194304xi32, #tpu.memory_space<hbm>> -> memref<16384xi32, #tpu.memory_space<hbm>>
    tpu.enqueue_dma source(%dma_start3A_7 : memref<16384xi32, #tpu.memory_space<hbm>>) target(%arg11 : memref<16384xi32, #tpu.memory_space<vmem>>) target_semaphore(%arg17 : memref<!tpu.dma_semaphore, #tpu.memory_space<semaphore_mem>>)
    %add3A_8 = arith.constant 16384 : i32
    %add3A_9 = arith.addi %mul3A_2, %add3A_8 : i32
    %dma_start3A_10 = tpu.memref_slice %arg2[%add3A_9] : memref<4194304xf32, #tpu.memory_space<hbm>> -> memref<16384xf32, #tpu.memory_space<hbm>>
    %dma_start3A_11 = tpu.memref_slice %arg2[%add3A_9] : memref<4194304xf32, #tpu.memory_space<hbm>> -> memref<16384xf32, #tpu.memory_space<hbm>>
    tpu.enqueue_dma source(%dma_start3A_11 : memref<16384xf32, #tpu.memory_space<hbm>>) target(%arg10 : memref<16384xf32, #tpu.memory_space<vmem>>) target_semaphore(%arg16 : memref<!tpu.dma_semaphore, #tpu.memory_space<semaphore_mem>>)
    %dma_start3A_12 = tpu.memref_slice %arg3[%add3A_9] : memref<4194304xi32, #tpu.memory_space<hbm>> -> memref<16384xi32, #tpu.memory_space<hbm>>
    %dma_start3A_13 = tpu.memref_slice %arg3[%add3A_9] : memref<4194304xi32, #tpu.memory_space<hbm>> -> memref<16384xi32, #tpu.memory_space<hbm>>
    tpu.enqueue_dma source(%dma_start3A_13 : memref<16384xi32, #tpu.memory_space<hbm>>) target(%arg12 : memref<16384xi32, #tpu.memory_space<vmem>>) target_semaphore(%arg18 : memref<!tpu.dma_semaphore, #tpu.memory_space<semaphore_mem>>)
    %dma_wait3A = tpu.memref_slice %arg2[%add3A_4] : memref<4194304xf32, #tpu.memory_space<hbm>> -> memref<16384xf32, #tpu.memory_space<hbm>>
    %dma_wait3A_14 = tpu.memref_slice %arg2[%add3A_4] : memref<4194304xf32, #tpu.memory_space<hbm>> -> memref<16384xf32, #tpu.memory_space<hbm>>
    tpu.wait_dma2 semaphore(%arg15 : memref<!tpu.dma_semaphore, #tpu.memory_space<semaphore_mem>>) src(%dma_wait3A_14 : memref<16384xf32, #tpu.memory_space<hbm>>) dst(%arg9 : memref<16384xf32, #tpu.memory_space<vmem>>)
    %dma_wait3A_15 = tpu.memref_slice %arg3[%add3A_4] : memref<4194304xi32, #tpu.memory_space<hbm>> -> memref<16384xi32, #tpu.memory_space<hbm>>
    %dma_wait3A_16 = tpu.memref_slice %arg3[%add3A_4] : memref<4194304xi32, #tpu.memory_space<hbm>> -> memref<16384xi32, #tpu.memory_space<hbm>>
    tpu.wait_dma2 semaphore(%arg17 : memref<!tpu.dma_semaphore, #tpu.memory_space<semaphore_mem>>) src(%dma_wait3A_16 : memref<16384xi32, #tpu.memory_space<hbm>>) dst(%arg11 : memref<16384xi32, #tpu.memory_space<vmem>>)
    %parallel_loop3A = arith.constant 0 : i32
    %parallel_loop3A_17 = arith.constant 16384 : i32
    %parallel_loop3A_18 = arith.constant 16 : i32
    scf.for %parallel_loop3A_152 = %parallel_loop3A to %parallel_loop3A_17 step %parallel_loop3A_18  : i32 {
      %parallel_loop3A_153 = tpu.assume_multiple %parallel_loop3A_152, 16 : i32
      %parallel_loop3A_154 = arith.index_cast %parallel_loop3A_153 : i32 to index
      %parallel_loop3A_155 = tpu.vector_load %arg11[%parallel_loop3A_154] {strides = array<i32>} : memref<16384xi32, #tpu.memory_space<vmem>>, vector<16xi32>,
      %parallel_loop3A_156 = arith.index_cast %parallel_loop3A_153 : i32 to index
      %parallel_loop3A_157 = tpu.vector_load %arg9[%parallel_loop3A_156] {strides = array<i32>} : memref<16384xf32, #tpu.memory_space<vmem>>, vector<16xf32>,
      %parallel_loop3A_158 = tpu.vector_load_idx %arg7[%parallel_loop3A_155] : memref<128xf32, #tpu.memory_space<vmem>>[vector<16xi32>], vector<16xf32>,
      %parallel_loop3A_159 = tpu.vector_load_idx %arg8[%parallel_loop3A_155] : memref<128xf32, #tpu.memory_space<vmem>>[vector<16xi32>], vector<16xf32>,
      %parallel_loop3A_160 = arith.mulf %parallel_loop3A_158, %parallel_loop3A_157 : vector<16xf32>
      %parallel_loop3A_161 = arith.addf %parallel_loop3A_160, %parallel_loop3A_159 : vector<16xf32>
      %parallel_loop3A_162 = arith.index_cast %parallel_loop3A_153 : i32 to index
      %parallel_loop3A_163 = tpu.vector_load %arg13[%parallel_loop3A_162] {strides = array<i32>} : memref<16384xf32, #tpu.memory_space<vmem>>, vector<16xf32>,
      tpu.vector_store %arg13[%parallel_loop3A_162], %parallel_loop3A_161 {strides = array<i32>} : memref<16384xf32, #tpu.memory_space<vmem>>, vector<16xf32>,
    } {sc.loop_unroll_factor = 16 : i64, sc.parallel_access}
    %add3A_19 = arith.constant 0 : i32
    %add3A_20 = arith.addi %mul3A_2, %add3A_19 : i32
    %dma_start3A_21 = tpu.memref_slice %arg6[%add3A_20] : memref<4194304xf32, #tpu.memory_space<hbm>> -> memref<16384xf32, #tpu.memory_space<hbm>>
    %dma_start3A_22 = tpu.memref_slice %arg6[%add3A_20] : memref<4194304xf32, #tpu.memory_space<hbm>> -> memref<16384xf32, #tpu.memory_space<hbm>>
    tpu.enqueue_dma source(%arg13 : memref<16384xf32, #tpu.memory_space<vmem>>) target(%dma_start3A_22 : memref<16384xf32, #tpu.memory_space<hbm>>) target_semaphore(%arg19 : memref<!tpu.dma_semaphore, #tpu.memory_space<semaphore_mem>>)
    %add3A_23 = arith.constant 32768 : i32
    %add3A_24 = arith.addi %mul3A_2, %add3A_23 : i32
    %dma_start3A_25 = tpu.memref_slice %arg2[%add3A_24] : memref<4194304xf32, #tpu.memory_space<hbm>> -> memref<16384xf32, #tpu.memory_space<hbm>>
    %dma_start3A_26 = tpu.memref_slice %arg2[%add3A_24] : memref<4194304xf32, #tpu.memory_space<hbm>> -> memref<16384xf32, #tpu.memory_space<hbm>>
    tpu.enqueue_dma source(%dma_start3A_26 : memref<16384xf32, #tpu.memory_space<hbm>>) target(%arg9 : memref<16384xf32, #tpu.memory_space<vmem>>) target_semaphore(%arg15 : memref<!tpu.dma_semaphore, #tpu.memory_space<semaphore_mem>>)
    %dma_start3A_27 = tpu.memref_slice %arg3[%add3A_24] : memref<4194304xi32, #tpu.memory_space<hbm>> -> memref<16384xi32, #tpu.memory_space<hbm>>
    %dma_start3A_28 = tpu.memref_slice %arg3[%add3A_24] : memref<4194304xi32, #tpu.memory_space<hbm>> -> memref<16384xi32, #tpu.memory_space<hbm>>
    tpu.enqueue_dma source(%dma_start3A_28 : memref<16384xi32, #tpu.memory_space<hbm>>) target(%arg11 : memref<16384xi32, #tpu.memory_space<vmem>>) target_semaphore(%arg17 : memref<!tpu.dma_semaphore, #tpu.memory_space<semaphore_mem>>)
    %dma_wait3A_29 = tpu.memref_slice %arg2[%add3A_9] : memref<4194304xf32, #tpu.memory_space<hbm>> -> memref<16384xf32, #tpu.memory_space<hbm>>
    %dma_wait3A_30 = tpu.memref_slice %arg2[%add3A_9] : memref<4194304xf32, #tpu.memory_space<hbm>> -> memref<16384xf32, #tpu.memory_space<hbm>>
    tpu.wait_dma2 semaphore(%arg16 : memref<!tpu.dma_semaphore, #tpu.memory_space<semaphore_mem>>) src(%dma_wait3A_30 : memref<16384xf32, #tpu.memory_space<hbm>>) dst(%arg10 : memref<16384xf32, #tpu.memory_space<vmem>>)
    %dma_wait3A_31 = tpu.memref_slice %arg3[%add3A_9] : memref<4194304xi32, #tpu.memory_space<hbm>> -> memref<16384xi32, #tpu.memory_space<hbm>>
    %dma_wait3A_32 = tpu.memref_slice %arg3[%add3A_9] : memref<4194304xi32, #tpu.memory_space<hbm>> -> memref<16384xi32, #tpu.memory_space<hbm>>
    tpu.wait_dma2 semaphore(%arg18 : memref<!tpu.dma_semaphore, #tpu.memory_space<semaphore_mem>>) src(%dma_wait3A_32 : memref<16384xi32, #tpu.memory_space<hbm>>) dst(%arg12 : memref<16384xi32, #tpu.memory_space<vmem>>)
    %parallel_loop3A_33 = arith.constant 0 : i32
    %parallel_loop3A_34 = arith.constant 16384 : i32
    %parallel_loop3A_35 = arith.constant 16 : i32
    scf.for %parallel_loop3A_152 = %parallel_loop3A_33 to %parallel_loop3A_34 step %parallel_loop3A_35  : i32 {
      %parallel_loop3A_153 = tpu.assume_multiple %parallel_loop3A_152, 16 : i32
      %parallel_loop3A_154 = arith.index_cast %parallel_loop3A_153 : i32 to index
      %parallel_loop3A_155 = tpu.vector_load %arg12[%parallel_loop3A_154] {strides = array<i32>} : memref<16384xi32, #tpu.memory_space<vmem>>, vector<16xi32>,
      %parallel_loop3A_156 = arith.index_cast %parallel_loop3A_153 : i32 to index
      %parallel_loop3A_157 = tpu.vector_load %arg10[%parallel_loop3A_156] {strides = array<i32>} : memref<16384xf32, #tpu.memory_space<vmem>>, vector<16xf32>,
      %parallel_loop3A_158 = tpu.vector_load_idx %arg7[%parallel_loop3A_155] : memref<128xf32, #tpu.memory_space<vmem>>[vector<16xi32>], vector<16xf32>,
      %parallel_loop3A_159 = tpu.vector_load_idx %arg8[%parallel_loop3A_155] : memref<128xf32, #tpu.memory_space<vmem>>[vector<16xi32>], vector<16xf32>,
      %parallel_loop3A_160 = arith.mulf %parallel_loop3A_158, %parallel_loop3A_157 : vector<16xf32>
      %parallel_loop3A_161 = arith.addf %parallel_loop3A_160, %parallel_loop3A_159 : vector<16xf32>
      %parallel_loop3A_162 = arith.index_cast %parallel_loop3A_153 : i32 to index
      %parallel_loop3A_163 = tpu.vector_load %arg14[%parallel_loop3A_162] {strides = array<i32>} : memref<16384xf32, #tpu.memory_space<vmem>>, vector<16xf32>,
      tpu.vector_store %arg14[%parallel_loop3A_162], %parallel_loop3A_161 {strides = array<i32>} : memref<16384xf32, #tpu.memory_space<vmem>>, vector<16xf32>,
    } {sc.loop_unroll_factor = 16 : i64, sc.parallel_access}
    %add3A_36 = arith.constant 16384 : i32
    %add3A_37 = arith.addi %mul3A_2, %add3A_36 : i32
    %dma_start3A_38 = tpu.memref_slice %arg6[%add3A_37] : memref<4194304xf32, #tpu.memory_space<hbm>> -> memref<16384xf32, #tpu.memory_space<hbm>>
    %dma_start3A_39 = tpu.memref_slice %arg6[%add3A_37] : memref<4194304xf32, #tpu.memory_space<hbm>> -> memref<16384xf32, #tpu.memory_space<hbm>>
    tpu.enqueue_dma source(%arg14 : memref<16384xf32, #tpu.memory_space<vmem>>) target(%dma_start3A_39 : memref<16384xf32, #tpu.memory_space<hbm>>) target_semaphore(%arg20 : memref<!tpu.dma_semaphore, #tpu.memory_space<semaphore_mem>>)
    %add3A_40 = arith.constant 49152 : i32
    %add3A_41 = arith.addi %mul3A_2, %add3A_40 : i32
    %dma_start3A_42 = tpu.memref_slice %arg2[%add3A_41] : memref<4194304xf32, #tpu.memory_space<hbm>> -> memref<16384xf32, #tpu.memory_space<hbm>>
    %dma_start3A_43 = tpu.memref_slice %arg2[%add3A_41] : memref<4194304xf32, #tpu.memory_space<hbm>> -> memref<16384xf32, #tpu.memory_space<hbm>>
    tpu.enqueue_dma source(%dma_start3A_43 : memref<16384xf32, #tpu.memory_space<hbm>>) target(%arg10 : memref<16384xf32, #tpu.memory_space<vmem>>) target_semaphore(%arg16 : memref<!tpu.dma_semaphore, #tpu.memory_space<semaphore_mem>>)
    %dma_start3A_44 = tpu.memref_slice %arg3[%add3A_41] : memref<4194304xi32, #tpu.memory_space<hbm>> -> memref<16384xi32, #tpu.memory_space<hbm>>
    %dma_start3A_45 = tpu.memref_slice %arg3[%add3A_41] : memref<4194304xi32, #tpu.memory_space<hbm>> -> memref<16384xi32, #tpu.memory_space<hbm>>
    tpu.enqueue_dma source(%dma_start3A_45 : memref<16384xi32, #tpu.memory_space<hbm>>) target(%arg12 : memref<16384xi32, #tpu.memory_space<vmem>>) target_semaphore(%arg18 : memref<!tpu.dma_semaphore, #tpu.memory_space<semaphore_mem>>)
    %dma_wait3A_46 = tpu.memref_slice %arg2[%add3A_24] : memref<4194304xf32, #tpu.memory_space<hbm>> -> memref<16384xf32, #tpu.memory_space<hbm>>
    %dma_wait3A_47 = tpu.memref_slice %arg2[%add3A_24] : memref<4194304xf32, #tpu.memory_space<hbm>> -> memref<16384xf32, #tpu.memory_space<hbm>>
    tpu.wait_dma2 semaphore(%arg15 : memref<!tpu.dma_semaphore, #tpu.memory_space<semaphore_mem>>) src(%dma_wait3A_47 : memref<16384xf32, #tpu.memory_space<hbm>>) dst(%arg9 : memref<16384xf32, #tpu.memory_space<vmem>>)
    %dma_wait3A_48 = tpu.memref_slice %arg3[%add3A_24] : memref<4194304xi32, #tpu.memory_space<hbm>> -> memref<16384xi32, #tpu.memory_space<hbm>>
    %dma_wait3A_49 = tpu.memref_slice %arg3[%add3A_24] : memref<4194304xi32, #tpu.memory_space<hbm>> -> memref<16384xi32, #tpu.memory_space<hbm>>
    tpu.wait_dma2 semaphore(%arg17 : memref<!tpu.dma_semaphore, #tpu.memory_space<semaphore_mem>>) src(%dma_wait3A_49 : memref<16384xi32, #tpu.memory_space<hbm>>) dst(%arg11 : memref<16384xi32, #tpu.memory_space<vmem>>)
    %dma_wait3A_50 = tpu.memref_slice %arg6[%add3A_20] : memref<4194304xf32, #tpu.memory_space<hbm>> -> memref<16384xf32, #tpu.memory_space<hbm>>
    %dma_wait3A_51 = tpu.memref_slice %arg6[%add3A_20] : memref<4194304xf32, #tpu.memory_space<hbm>> -> memref<16384xf32, #tpu.memory_space<hbm>>
    tpu.wait_dma2 semaphore(%arg19 : memref<!tpu.dma_semaphore, #tpu.memory_space<semaphore_mem>>) src(%arg13 : memref<16384xf32, #tpu.memory_space<vmem>>) dst(%dma_wait3A_51 : memref<16384xf32, #tpu.memory_space<hbm>>)
    %parallel_loop3A_52 = arith.constant 0 : i32
    %parallel_loop3A_53 = arith.constant 16384 : i32
    %parallel_loop3A_54 = arith.constant 16 : i32
    scf.for %parallel_loop3A_152 = %parallel_loop3A_52 to %parallel_loop3A_53 step %parallel_loop3A_54  : i32 {
      %parallel_loop3A_153 = tpu.assume_multiple %parallel_loop3A_152, 16 : i32
      %parallel_loop3A_154 = arith.index_cast %parallel_loop3A_153 : i32 to index
      %parallel_loop3A_155 = tpu.vector_load %arg11[%parallel_loop3A_154] {strides = array<i32>} : memref<16384xi32, #tpu.memory_space<vmem>>, vector<16xi32>,
      %parallel_loop3A_156 = arith.index_cast %parallel_loop3A_153 : i32 to index
      %parallel_loop3A_157 = tpu.vector_load %arg9[%parallel_loop3A_156] {strides = array<i32>} : memref<16384xf32, #tpu.memory_space<vmem>>, vector<16xf32>,
      %parallel_loop3A_158 = tpu.vector_load_idx %arg7[%parallel_loop3A_155] : memref<128xf32, #tpu.memory_space<vmem>>[vector<16xi32>], vector<16xf32>,
      %parallel_loop3A_159 = tpu.vector_load_idx %arg8[%parallel_loop3A_155] : memref<128xf32, #tpu.memory_space<vmem>>[vector<16xi32>], vector<16xf32>,
      %parallel_loop3A_160 = arith.mulf %parallel_loop3A_158, %parallel_loop3A_157 : vector<16xf32>
      %parallel_loop3A_161 = arith.addf %parallel_loop3A_160, %parallel_loop3A_159 : vector<16xf32>
      %parallel_loop3A_162 = arith.index_cast %parallel_loop3A_153 : i32 to index
      %parallel_loop3A_163 = tpu.vector_load %arg13[%parallel_loop3A_162] {strides = array<i32>} : memref<16384xf32, #tpu.memory_space<vmem>>, vector<16xf32>,
      tpu.vector_store %arg13[%parallel_loop3A_162], %parallel_loop3A_161 {strides = array<i32>} : memref<16384xf32, #tpu.memory_space<vmem>>, vector<16xf32>,
    } {sc.loop_unroll_factor = 16 : i64, sc.parallel_access}
    %add3A_55 = arith.constant 32768 : i32
    %add3A_56 = arith.addi %mul3A_2, %add3A_55 : i32
    %dma_start3A_57 = tpu.memref_slice %arg6[%add3A_56] : memref<4194304xf32, #tpu.memory_space<hbm>> -> memref<16384xf32, #tpu.memory_space<hbm>>
    %dma_start3A_58 = tpu.memref_slice %arg6[%add3A_56] : memref<4194304xf32, #tpu.memory_space<hbm>> -> memref<16384xf32, #tpu.memory_space<hbm>>
    tpu.enqueue_dma source(%arg13 : memref<16384xf32, #tpu.memory_space<vmem>>) target(%dma_start3A_58 : memref<16384xf32, #tpu.memory_space<hbm>>) target_semaphore(%arg19 : memref<!tpu.dma_semaphore, #tpu.memory_space<semaphore_mem>>)
    %add3A_59 = arith.constant 65536 : i32
    %add3A_60 = arith.addi %mul3A_2, %add3A_59 : i32
    %dma_start3A_61 = tpu.memref_slice %arg2[%add3A_60] : memref<4194304xf32, #tpu.memory_space<hbm>> -> memref<16384xf32, #tpu.memory_space<hbm>>
    %dma_start3A_62 = tpu.memref_slice %arg2[%add3A_60] : memref<4194304xf32, #tpu.memory_space<hbm>> -> memref<16384xf32, #tpu.memory_space<hbm>>
    tpu.enqueue_dma source(%dma_start3A_62 : memref<16384xf32, #tpu.memory_space<hbm>>) target(%arg9 : memref<16384xf32, #tpu.memory_space<vmem>>) target_semaphore(%arg15 : memref<!tpu.dma_semaphore, #tpu.memory_space<semaphore_mem>>)
    %dma_start3A_63 = tpu.memref_slice %arg3[%add3A_60] : memref<4194304xi32, #tpu.memory_space<hbm>> -> memref<16384xi32, #tpu.memory_space<hbm>>
    %dma_start3A_64 = tpu.memref_slice %arg3[%add3A_60] : memref<4194304xi32, #tpu.memory_space<hbm>> -> memref<16384xi32, #tpu.memory_space<hbm>>
    tpu.enqueue_dma source(%dma_start3A_64 : memref<16384xi32, #tpu.memory_space<hbm>>) target(%arg11 : memref<16384xi32, #tpu.memory_space<vmem>>) target_semaphore(%arg17 : memref<!tpu.dma_semaphore, #tpu.memory_space<semaphore_mem>>)
    %dma_wait3A_65 = tpu.memref_slice %arg2[%add3A_41] : memref<4194304xf32, #tpu.memory_space<hbm>> -> memref<16384xf32, #tpu.memory_space<hbm>>
    %dma_wait3A_66 = tpu.memref_slice %arg2[%add3A_41] : memref<4194304xf32, #tpu.memory_space<hbm>> -> memref<16384xf32, #tpu.memory_space<hbm>>
    tpu.wait_dma2 semaphore(%arg16 : memref<!tpu.dma_semaphore, #tpu.memory_space<semaphore_mem>>) src(%dma_wait3A_66 : memref<16384xf32, #tpu.memory_space<hbm>>) dst(%arg10 : memref<16384xf32, #tpu.memory_space<vmem>>)
    %dma_wait3A_67 = tpu.memref_slice %arg3[%add3A_41] : memref<4194304xi32, #tpu.memory_space<hbm>> -> memref<16384xi32, #tpu.memory_space<hbm>>
    %dma_wait3A_68 = tpu.memref_slice %arg3[%add3A_41] : memref<4194304xi32, #tpu.memory_space<hbm>> -> memref<16384xi32, #tpu.memory_space<hbm>>
    tpu.wait_dma2 semaphore(%arg18 : memref<!tpu.dma_semaphore, #tpu.memory_space<semaphore_mem>>) src(%dma_wait3A_68 : memref<16384xi32, #tpu.memory_space<hbm>>) dst(%arg12 : memref<16384xi32, #tpu.memory_space<vmem>>)
    %dma_wait3A_69 = tpu.memref_slice %arg6[%add3A_37] : memref<4194304xf32, #tpu.memory_space<hbm>> -> memref<16384xf32, #tpu.memory_space<hbm>>
    %dma_wait3A_70 = tpu.memref_slice %arg6[%add3A_37] : memref<4194304xf32, #tpu.memory_space<hbm>> -> memref<16384xf32, #tpu.memory_space<hbm>>
    tpu.wait_dma2 semaphore(%arg20 : memref<!tpu.dma_semaphore, #tpu.memory_space<semaphore_mem>>) src(%arg14 : memref<16384xf32, #tpu.memory_space<vmem>>) dst(%dma_wait3A_70 : memref<16384xf32, #tpu.memory_space<hbm>>)
    %parallel_loop3A_71 = arith.constant 0 : i32
    %parallel_loop3A_72 = arith.constant 16384 : i32
    %parallel_loop3A_73 = arith.constant 16 : i32
    scf.for %parallel_loop3A_152 = %parallel_loop3A_71 to %parallel_loop3A_72 step %parallel_loop3A_73  : i32 {
      %parallel_loop3A_153 = tpu.assume_multiple %parallel_loop3A_152, 16 : i32
      %parallel_loop3A_154 = arith.index_cast %parallel_loop3A_153 : i32 to index
      %parallel_loop3A_155 = tpu.vector_load %arg12[%parallel_loop3A_154] {strides = array<i32>} : memref<16384xi32, #tpu.memory_space<vmem>>, vector<16xi32>,
      %parallel_loop3A_156 = arith.index_cast %parallel_loop3A_153 : i32 to index
      %parallel_loop3A_157 = tpu.vector_load %arg10[%parallel_loop3A_156] {strides = array<i32>} : memref<16384xf32, #tpu.memory_space<vmem>>, vector<16xf32>,
      %parallel_loop3A_158 = tpu.vector_load_idx %arg7[%parallel_loop3A_155] : memref<128xf32, #tpu.memory_space<vmem>>[vector<16xi32>], vector<16xf32>,
      %parallel_loop3A_159 = tpu.vector_load_idx %arg8[%parallel_loop3A_155] : memref<128xf32, #tpu.memory_space<vmem>>[vector<16xi32>], vector<16xf32>,
      %parallel_loop3A_160 = arith.mulf %parallel_loop3A_158, %parallel_loop3A_157 : vector<16xf32>
      %parallel_loop3A_161 = arith.addf %parallel_loop3A_160, %parallel_loop3A_159 : vector<16xf32>
      %parallel_loop3A_162 = arith.index_cast %parallel_loop3A_153 : i32 to index
      %parallel_loop3A_163 = tpu.vector_load %arg14[%parallel_loop3A_162] {strides = array<i32>} : memref<16384xf32, #tpu.memory_space<vmem>>, vector<16xf32>,
      tpu.vector_store %arg14[%parallel_loop3A_162], %parallel_loop3A_161 {strides = array<i32>} : memref<16384xf32, #tpu.memory_space<vmem>>, vector<16xf32>,
    } {sc.loop_unroll_factor = 16 : i64, sc.parallel_access}
    %add3A_74 = arith.constant 49152 : i32
    %add3A_75 = arith.addi %mul3A_2, %add3A_74 : i32
    %dma_start3A_76 = tpu.memref_slice %arg6[%add3A_75] : memref<4194304xf32, #tpu.memory_space<hbm>> -> memref<16384xf32, #tpu.memory_space<hbm>>
    %dma_start3A_77 = tpu.memref_slice %arg6[%add3A_75] : memref<4194304xf32, #tpu.memory_space<hbm>> -> memref<16384xf32, #tpu.memory_space<hbm>>
    tpu.enqueue_dma source(%arg14 : memref<16384xf32, #tpu.memory_space<vmem>>) target(%dma_start3A_77 : memref<16384xf32, #tpu.memory_space<hbm>>) target_semaphore(%arg20 : memref<!tpu.dma_semaphore, #tpu.memory_space<semaphore_mem>>)
    %add3A_78 = arith.constant 81920 : i32
    %add3A_79 = arith.addi %mul3A_2, %add3A_78 : i32
    %dma_start3A_80 = tpu.memref_slice %arg2[%add3A_79] : memref<4194304xf32, #tpu.memory_space<hbm>> -> memref<16384xf32, #tpu.memory_space<hbm>>
    %dma_start3A_81 = tpu.memref_slice %arg2[%add3A_79] : memref<4194304xf32, #tpu.memory_space<hbm>> -> memref<16384xf32, #tpu.memory_space<hbm>>
    tpu.enqueue_dma source(%dma_start3A_81 : memref<16384xf32, #tpu.memory_space<hbm>>) target(%arg10 : memref<16384xf32, #tpu.memory_space<vmem>>) target_semaphore(%arg16 : memref<!tpu.dma_semaphore, #tpu.memory_space<semaphore_mem>>)
    %dma_start3A_82 = tpu.memref_slice %arg3[%add3A_79] : memref<4194304xi32, #tpu.memory_space<hbm>> -> memref<16384xi32, #tpu.memory_space<hbm>>
    %dma_start3A_83 = tpu.memref_slice %arg3[%add3A_79] : memref<4194304xi32, #tpu.memory_space<hbm>> -> memref<16384xi32, #tpu.memory_space<hbm>>
    tpu.enqueue_dma source(%dma_start3A_83 : memref<16384xi32, #tpu.memory_space<hbm>>) target(%arg12 : memref<16384xi32, #tpu.memory_space<vmem>>) target_semaphore(%arg18 : memref<!tpu.dma_semaphore, #tpu.memory_space<semaphore_mem>>)
    %dma_wait3A_84 = tpu.memref_slice %arg2[%add3A_60] : memref<4194304xf32, #tpu.memory_space<hbm>> -> memref<16384xf32, #tpu.memory_space<hbm>>
    %dma_wait3A_85 = tpu.memref_slice %arg2[%add3A_60] : memref<4194304xf32, #tpu.memory_space<hbm>> -> memref<16384xf32, #tpu.memory_space<hbm>>
    tpu.wait_dma2 semaphore(%arg15 : memref<!tpu.dma_semaphore, #tpu.memory_space<semaphore_mem>>) src(%dma_wait3A_85 : memref<16384xf32, #tpu.memory_space<hbm>>) dst(%arg9 : memref<16384xf32, #tpu.memory_space<vmem>>)
    %dma_wait3A_86 = tpu.memref_slice %arg3[%add3A_60] : memref<4194304xi32, #tpu.memory_space<hbm>> -> memref<16384xi32, #tpu.memory_space<hbm>>
    %dma_wait3A_87 = tpu.memref_slice %arg3[%add3A_60] : memref<4194304xi32, #tpu.memory_space<hbm>> -> memref<16384xi32, #tpu.memory_space<hbm>>
    tpu.wait_dma2 semaphore(%arg17 : memref<!tpu.dma_semaphore, #tpu.memory_space<semaphore_mem>>) src(%dma_wait3A_87 : memref<16384xi32, #tpu.memory_space<hbm>>) dst(%arg11 : memref<16384xi32, #tpu.memory_space<vmem>>)
    %dma_wait3A_88 = tpu.memref_slice %arg6[%add3A_56] : memref<4194304xf32, #tpu.memory_space<hbm>> -> memref<16384xf32, #tpu.memory_space<hbm>>
    %dma_wait3A_89 = tpu.memref_slice %arg6[%add3A_56] : memref<4194304xf32, #tpu.memory_space<hbm>> -> memref<16384xf32, #tpu.memory_space<hbm>>
    tpu.wait_dma2 semaphore(%arg19 : memref<!tpu.dma_semaphore, #tpu.memory_space<semaphore_mem>>) src(%arg13 : memref<16384xf32, #tpu.memory_space<vmem>>) dst(%dma_wait3A_89 : memref<16384xf32, #tpu.memory_space<hbm>>)
    %parallel_loop3A_90 = arith.constant 0 : i32
    %parallel_loop3A_91 = arith.constant 16384 : i32
    %parallel_loop3A_92 = arith.constant 16 : i32
    scf.for %parallel_loop3A_152 = %parallel_loop3A_90 to %parallel_loop3A_91 step %parallel_loop3A_92  : i32 {
      %parallel_loop3A_153 = tpu.assume_multiple %parallel_loop3A_152, 16 : i32
      %parallel_loop3A_154 = arith.index_cast %parallel_loop3A_153 : i32 to index
      %parallel_loop3A_155 = tpu.vector_load %arg11[%parallel_loop3A_154] {strides = array<i32>} : memref<16384xi32, #tpu.memory_space<vmem>>, vector<16xi32>,
      %parallel_loop3A_156 = arith.index_cast %parallel_loop3A_153 : i32 to index
      %parallel_loop3A_157 = tpu.vector_load %arg9[%parallel_loop3A_156] {strides = array<i32>} : memref<16384xf32, #tpu.memory_space<vmem>>, vector<16xf32>,
      %parallel_loop3A_158 = tpu.vector_load_idx %arg7[%parallel_loop3A_155] : memref<128xf32, #tpu.memory_space<vmem>>[vector<16xi32>], vector<16xf32>,
      %parallel_loop3A_159 = tpu.vector_load_idx %arg8[%parallel_loop3A_155] : memref<128xf32, #tpu.memory_space<vmem>>[vector<16xi32>], vector<16xf32>,
      %parallel_loop3A_160 = arith.mulf %parallel_loop3A_158, %parallel_loop3A_157 : vector<16xf32>
      %parallel_loop3A_161 = arith.addf %parallel_loop3A_160, %parallel_loop3A_159 : vector<16xf32>
      %parallel_loop3A_162 = arith.index_cast %parallel_loop3A_153 : i32 to index
      %parallel_loop3A_163 = tpu.vector_load %arg13[%parallel_loop3A_162] {strides = array<i32>} : memref<16384xf32, #tpu.memory_space<vmem>>, vector<16xf32>,
      tpu.vector_store %arg13[%parallel_loop3A_162], %parallel_loop3A_161 {strides = array<i32>} : memref<16384xf32, #tpu.memory_space<vmem>>, vector<16xf32>,
    } {sc.loop_unroll_factor = 16 : i64, sc.parallel_access}
    %add3A_93 = arith.constant 65536 : i32
    %add3A_94 = arith.addi %mul3A_2, %add3A_93 : i32
    %dma_start3A_95 = tpu.memref_slice %arg6[%add3A_94] : memref<4194304xf32, #tpu.memory_space<hbm>> -> memref<16384xf32, #tpu.memory_space<hbm>>
    %dma_start3A_96 = tpu.memref_slice %arg6[%add3A_94] : memref<4194304xf32, #tpu.memory_space<hbm>> -> memref<16384xf32, #tpu.memory_space<hbm>>
    tpu.enqueue_dma source(%arg13 : memref<16384xf32, #tpu.memory_space<vmem>>) target(%dma_start3A_96 : memref<16384xf32, #tpu.memory_space<hbm>>) target_semaphore(%arg19 : memref<!tpu.dma_semaphore, #tpu.memory_space<semaphore_mem>>)
    %add3A_97 = arith.constant 98304 : i32
    %add3A_98 = arith.addi %mul3A_2, %add3A_97 : i32
    %dma_start3A_99 = tpu.memref_slice %arg2[%add3A_98] : memref<4194304xf32, #tpu.memory_space<hbm>> -> memref<16384xf32, #tpu.memory_space<hbm>>
    %dma_start3A_100 = tpu.memref_slice %arg2[%add3A_98] : memref<4194304xf32, #tpu.memory_space<hbm>> -> memref<16384xf32, #tpu.memory_space<hbm>>
    tpu.enqueue_dma source(%dma_start3A_100 : memref<16384xf32, #tpu.memory_space<hbm>>) target(%arg9 : memref<16384xf32, #tpu.memory_space<vmem>>) target_semaphore(%arg15 : memref<!tpu.dma_semaphore, #tpu.memory_space<semaphore_mem>>)
    %dma_start3A_101 = tpu.memref_slice %arg3[%add3A_98] : memref<4194304xi32, #tpu.memory_space<hbm>> -> memref<16384xi32, #tpu.memory_space<hbm>>
    %dma_start3A_102 = tpu.memref_slice %arg3[%add3A_98] : memref<4194304xi32, #tpu.memory_space<hbm>> -> memref<16384xi32, #tpu.memory_space<hbm>>
    tpu.enqueue_dma source(%dma_start3A_102 : memref<16384xi32, #tpu.memory_space<hbm>>) target(%arg11 : memref<16384xi32, #tpu.memory_space<vmem>>) target_semaphore(%arg17 : memref<!tpu.dma_semaphore, #tpu.memory_space<semaphore_mem>>)
    %dma_wait3A_103 = tpu.memref_slice %arg2[%add3A_79] : memref<4194304xf32, #tpu.memory_space<hbm>> -> memref<16384xf32, #tpu.memory_space<hbm>>
    %dma_wait3A_104 = tpu.memref_slice %arg2[%add3A_79] : memref<4194304xf32, #tpu.memory_space<hbm>> -> memref<16384xf32, #tpu.memory_space<hbm>>
    tpu.wait_dma2 semaphore(%arg16 : memref<!tpu.dma_semaphore, #tpu.memory_space<semaphore_mem>>) src(%dma_wait3A_104 : memref<16384xf32, #tpu.memory_space<hbm>>) dst(%arg10 : memref<16384xf32, #tpu.memory_space<vmem>>)
    %dma_wait3A_105 = tpu.memref_slice %arg3[%add3A_79] : memref<4194304xi32, #tpu.memory_space<hbm>> -> memref<16384xi32, #tpu.memory_space<hbm>>
    %dma_wait3A_106 = tpu.memref_slice %arg3[%add3A_79] : memref<4194304xi32, #tpu.memory_space<hbm>> -> memref<16384xi32, #tpu.memory_space<hbm>>
    tpu.wait_dma2 semaphore(%arg18 : memref<!tpu.dma_semaphore, #tpu.memory_space<semaphore_mem>>) src(%dma_wait3A_106 : memref<16384xi32, #tpu.memory_space<hbm>>) dst(%arg12 : memref<16384xi32, #tpu.memory_space<vmem>>)
    %dma_wait3A_107 = tpu.memref_slice %arg6[%add3A_75] : memref<4194304xf32, #tpu.memory_space<hbm>> -> memref<16384xf32, #tpu.memory_space<hbm>>
    %dma_wait3A_108 = tpu.memref_slice %arg6[%add3A_75] : memref<4194304xf32, #tpu.memory_space<hbm>> -> memref<16384xf32, #tpu.memory_space<hbm>>
    tpu.wait_dma2 semaphore(%arg20 : memref<!tpu.dma_semaphore, #tpu.memory_space<semaphore_mem>>) src(%arg14 : memref<16384xf32, #tpu.memory_space<vmem>>) dst(%dma_wait3A_108 : memref<16384xf32, #tpu.memory_space<hbm>>)
    %parallel_loop3A_109 = arith.constant 0 : i32
    %parallel_loop3A_110 = arith.constant 16384 : i32
    %parallel_loop3A_111 = arith.constant 16 : i32
    scf.for %parallel_loop3A_152 = %parallel_loop3A_109 to %parallel_loop3A_110 step %parallel_loop3A_111  : i32 {
      %parallel_loop3A_153 = tpu.assume_multiple %parallel_loop3A_152, 16 : i32
      %parallel_loop3A_154 = arith.index_cast %parallel_loop3A_153 : i32 to index
      %parallel_loop3A_155 = tpu.vector_load %arg12[%parallel_loop3A_154] {strides = array<i32>} : memref<16384xi32, #tpu.memory_space<vmem>>, vector<16xi32>,
      %parallel_loop3A_156 = arith.index_cast %parallel_loop3A_153 : i32 to index
      %parallel_loop3A_157 = tpu.vector_load %arg10[%parallel_loop3A_156] {strides = array<i32>} : memref<16384xf32, #tpu.memory_space<vmem>>, vector<16xf32>,
      %parallel_loop3A_158 = tpu.vector_load_idx %arg7[%parallel_loop3A_155] : memref<128xf32, #tpu.memory_space<vmem>>[vector<16xi32>], vector<16xf32>,
      %parallel_loop3A_159 = tpu.vector_load_idx %arg8[%parallel_loop3A_155] : memref<128xf32, #tpu.memory_space<vmem>>[vector<16xi32>], vector<16xf32>,
      %parallel_loop3A_160 = arith.mulf %parallel_loop3A_158, %parallel_loop3A_157 : vector<16xf32>
      %parallel_loop3A_161 = arith.addf %parallel_loop3A_160, %parallel_loop3A_159 : vector<16xf32>
      %parallel_loop3A_162 = arith.index_cast %parallel_loop3A_153 : i32 to index
      %parallel_loop3A_163 = tpu.vector_load %arg14[%parallel_loop3A_162] {strides = array<i32>} : memref<16384xf32, #tpu.memory_space<vmem>>, vector<16xf32>,
      tpu.vector_store %arg14[%parallel_loop3A_162], %parallel_loop3A_161 {strides = array<i32>} : memref<16384xf32, #tpu.memory_space<vmem>>, vector<16xf32>,
    } {sc.loop_unroll_factor = 16 : i64, sc.parallel_access}
    %add3A_112 = arith.constant 81920 : i32
    %add3A_113 = arith.addi %mul3A_2, %add3A_112 : i32
    %dma_start3A_114 = tpu.memref_slice %arg6[%add3A_113] : memref<4194304xf32, #tpu.memory_space<hbm>> -> memref<16384xf32, #tpu.memory_space<hbm>>
    %dma_start3A_115 = tpu.memref_slice %arg6[%add3A_113] : memref<4194304xf32, #tpu.memory_space<hbm>> -> memref<16384xf32, #tpu.memory_space<hbm>>
    tpu.enqueue_dma source(%arg14 : memref<16384xf32, #tpu.memory_space<vmem>>) target(%dma_start3A_115 : memref<16384xf32, #tpu.memory_space<hbm>>) target_semaphore(%arg20 : memref<!tpu.dma_semaphore, #tpu.memory_space<semaphore_mem>>)
    %add3A_116 = arith.constant 114688 : i32
    %add3A_117 = arith.addi %mul3A_2, %add3A_116 : i32
    %dma_start3A_118 = tpu.memref_slice %arg2[%add3A_117] : memref<4194304xf32, #tpu.memory_space<hbm>> -> memref<16384xf32, #tpu.memory_space<hbm>>
    %dma_start3A_119 = tpu.memref_slice %arg2[%add3A_117] : memref<4194304xf32, #tpu.memory_space<hbm>> -> memref<16384xf32, #tpu.memory_space<hbm>>
    tpu.enqueue_dma source(%dma_start3A_119 : memref<16384xf32, #tpu.memory_space<hbm>>) target(%arg10 : memref<16384xf32, #tpu.memory_space<vmem>>) target_semaphore(%arg16 : memref<!tpu.dma_semaphore, #tpu.memory_space<semaphore_mem>>)
    %dma_start3A_120 = tpu.memref_slice %arg3[%add3A_117] : memref<4194304xi32, #tpu.memory_space<hbm>> -> memref<16384xi32, #tpu.memory_space<hbm>>
    %dma_start3A_121 = tpu.memref_slice %arg3[%add3A_117] : memref<4194304xi32, #tpu.memory_space<hbm>> -> memref<16384xi32, #tpu.memory_space<hbm>>
    tpu.enqueue_dma source(%dma_start3A_121 : memref<16384xi32, #tpu.memory_space<hbm>>) target(%arg12 : memref<16384xi32, #tpu.memory_space<vmem>>) target_semaphore(%arg18 : memref<!tpu.dma_semaphore, #tpu.memory_space<semaphore_mem>>)
    %dma_wait3A_122 = tpu.memref_slice %arg2[%add3A_98] : memref<4194304xf32, #tpu.memory_space<hbm>> -> memref<16384xf32, #tpu.memory_space<hbm>>
    %dma_wait3A_123 = tpu.memref_slice %arg2[%add3A_98] : memref<4194304xf32, #tpu.memory_space<hbm>> -> memref<16384xf32, #tpu.memory_space<hbm>>
    tpu.wait_dma2 semaphore(%arg15 : memref<!tpu.dma_semaphore, #tpu.memory_space<semaphore_mem>>) src(%dma_wait3A_123 : memref<16384xf32, #tpu.memory_space<hbm>>) dst(%arg9 : memref<16384xf32, #tpu.memory_space<vmem>>)
    %dma_wait3A_124 = tpu.memref_slice %arg3[%add3A_98] : memref<4194304xi32, #tpu.memory_space<hbm>> -> memref<16384xi32, #tpu.memory_space<hbm>>
    %dma_wait3A_125 = tpu.memref_slice %arg3[%add3A_98] : memref<4194304xi32, #tpu.memory_space<hbm>> -> memref<16384xi32, #tpu.memory_space<hbm>>
    tpu.wait_dma2 semaphore(%arg17 : memref<!tpu.dma_semaphore, #tpu.memory_space<semaphore_mem>>) src(%dma_wait3A_125 : memref<16384xi32, #tpu.memory_space<hbm>>) dst(%arg11 : memref<16384xi32, #tpu.memory_space<vmem>>)
    %dma_wait3A_126 = tpu.memref_slice %arg6[%add3A_94] : memref<4194304xf32, #tpu.memory_space<hbm>> -> memref<16384xf32, #tpu.memory_space<hbm>>
    %dma_wait3A_127 = tpu.memref_slice %arg6[%add3A_94] : memref<4194304xf32, #tpu.memory_space<hbm>> -> memref<16384xf32, #tpu.memory_space<hbm>>
    tpu.wait_dma2 semaphore(%arg19 : memref<!tpu.dma_semaphore, #tpu.memory_space<semaphore_mem>>) src(%arg13 : memref<16384xf32, #tpu.memory_space<vmem>>) dst(%dma_wait3A_127 : memref<16384xf32, #tpu.memory_space<hbm>>)
    %parallel_loop3A_128 = arith.constant 0 : i32
    %parallel_loop3A_129 = arith.constant 16384 : i32
    %parallel_loop3A_130 = arith.constant 16 : i32
    scf.for %parallel_loop3A_152 = %parallel_loop3A_128 to %parallel_loop3A_129 step %parallel_loop3A_130  : i32 {
      %parallel_loop3A_153 = tpu.assume_multiple %parallel_loop3A_152, 16 : i32
      %parallel_loop3A_154 = arith.index_cast %parallel_loop3A_153 : i32 to index
      %parallel_loop3A_155 = tpu.vector_load %arg11[%parallel_loop3A_154] {strides = array<i32>} : memref<16384xi32, #tpu.memory_space<vmem>>, vector<16xi32>,
      %parallel_loop3A_156 = arith.index_cast %parallel_loop3A_153 : i32 to index
      %parallel_loop3A_157 = tpu.vector_load %arg9[%parallel_loop3A_156] {strides = array<i32>} : memref<16384xf32, #tpu.memory_space<vmem>>, vector<16xf32>,
      %parallel_loop3A_158 = tpu.vector_load_idx %arg7[%parallel_loop3A_155] : memref<128xf32, #tpu.memory_space<vmem>>[vector<16xi32>], vector<16xf32>,
      %parallel_loop3A_159 = tpu.vector_load_idx %arg8[%parallel_loop3A_155] : memref<128xf32, #tpu.memory_space<vmem>>[vector<16xi32>], vector<16xf32>,
      %parallel_loop3A_160 = arith.mulf %parallel_loop3A_158, %parallel_loop3A_157 : vector<16xf32>
      %parallel_loop3A_161 = arith.addf %parallel_loop3A_160, %parallel_loop3A_159 : vector<16xf32>
      %parallel_loop3A_162 = arith.index_cast %parallel_loop3A_153 : i32 to index
      %parallel_loop3A_163 = tpu.vector_load %arg13[%parallel_loop3A_162] {strides = array<i32>} : memref<16384xf32, #tpu.memory_space<vmem>>, vector<16xf32>,
      tpu.vector_store %arg13[%parallel_loop3A_162], %parallel_loop3A_161 {strides = array<i32>} : memref<16384xf32, #tpu.memory_space<vmem>>, vector<16xf32>,
    } {sc.loop_unroll_factor = 16 : i64, sc.parallel_access}
    %add3A_131 = arith.constant 98304 : i32
    %add3A_132 = arith.addi %mul3A_2, %add3A_131 : i32
    %dma_start3A_133 = tpu.memref_slice %arg6[%add3A_132] : memref<4194304xf32, #tpu.memory_space<hbm>> -> memref<16384xf32, #tpu.memory_space<hbm>>
    %dma_start3A_134 = tpu.memref_slice %arg6[%add3A_132] : memref<4194304xf32, #tpu.memory_space<hbm>> -> memref<16384xf32, #tpu.memory_space<hbm>>
    tpu.enqueue_dma source(%arg13 : memref<16384xf32, #tpu.memory_space<vmem>>) target(%dma_start3A_134 : memref<16384xf32, #tpu.memory_space<hbm>>) target_semaphore(%arg19 : memref<!tpu.dma_semaphore, #tpu.memory_space<semaphore_mem>>)
    %dma_wait3A_135 = tpu.memref_slice %arg2[%add3A_117] : memref<4194304xf32, #tpu.memory_space<hbm>> -> memref<16384xf32, #tpu.memory_space<hbm>>
    %dma_wait3A_136 = tpu.memref_slice %arg2[%add3A_117] : memref<4194304xf32, #tpu.memory_space<hbm>> -> memref<16384xf32, #tpu.memory_space<hbm>>
    tpu.wait_dma2 semaphore(%arg16 : memref<!tpu.dma_semaphore, #tpu.memory_space<semaphore_mem>>) src(%dma_wait3A_136 : memref<16384xf32, #tpu.memory_space<hbm>>) dst(%arg10 : memref<16384xf32, #tpu.memory_space<vmem>>)
    %dma_wait3A_137 = tpu.memref_slice %arg3[%add3A_117] : memref<4194304xi32, #tpu.memory_space<hbm>> -> memref<16384xi32, #tpu.memory_space<hbm>>
    %dma_wait3A_138 = tpu.memref_slice %arg3[%add3A_117] : memref<4194304xi32, #tpu.memory_space<hbm>> -> memref<16384xi32, #tpu.memory_space<hbm>>
    tpu.wait_dma2 semaphore(%arg18 : memref<!tpu.dma_semaphore, #tpu.memory_space<semaphore_mem>>) src(%dma_wait3A_138 : memref<16384xi32, #tpu.memory_space<hbm>>) dst(%arg12 : memref<16384xi32, #tpu.memory_space<vmem>>)
    %dma_wait3A_139 = tpu.memref_slice %arg6[%add3A_113] : memref<4194304xf32, #tpu.memory_space<hbm>> -> memref<16384xf32, #tpu.memory_space<hbm>>
    %dma_wait3A_140 = tpu.memref_slice %arg6[%add3A_113] : memref<4194304xf32, #tpu.memory_space<hbm>> -> memref<16384xf32, #tpu.memory_space<hbm>>
    tpu.wait_dma2 semaphore(%arg20 : memref<!tpu.dma_semaphore, #tpu.memory_space<semaphore_mem>>) src(%arg14 : memref<16384xf32, #tpu.memory_space<vmem>>) dst(%dma_wait3A_140 : memref<16384xf32, #tpu.memory_space<hbm>>)
    %parallel_loop3A_141 = arith.constant 0 : i32
    %parallel_loop3A_142 = arith.constant 16384 : i32
    %parallel_loop3A_143 = arith.constant 16 : i32
    scf.for %parallel_loop3A_152 = %parallel_loop3A_141 to %parallel_loop3A_142 step %parallel_loop3A_143  : i32 {
      %parallel_loop3A_153 = tpu.assume_multiple %parallel_loop3A_152, 16 : i32
      %parallel_loop3A_154 = arith.index_cast %parallel_loop3A_153 : i32 to index
      %parallel_loop3A_155 = tpu.vector_load %arg12[%parallel_loop3A_154] {strides = array<i32>} : memref<16384xi32, #tpu.memory_space<vmem>>, vector<16xi32>,
      %parallel_loop3A_156 = arith.index_cast %parallel_loop3A_153 : i32 to index
      %parallel_loop3A_157 = tpu.vector_load %arg10[%parallel_loop3A_156] {strides = array<i32>} : memref<16384xf32, #tpu.memory_space<vmem>>, vector<16xf32>,
      %parallel_loop3A_158 = tpu.vector_load_idx %arg7[%parallel_loop3A_155] : memref<128xf32, #tpu.memory_space<vmem>>[vector<16xi32>], vector<16xf32>,
      %parallel_loop3A_159 = tpu.vector_load_idx %arg8[%parallel_loop3A_155] : memref<128xf32, #tpu.memory_space<vmem>>[vector<16xi32>], vector<16xf32>,
      %parallel_loop3A_160 = arith.mulf %parallel_loop3A_158, %parallel_loop3A_157 : vector<16xf32>
      %parallel_loop3A_161 = arith.addf %parallel_loop3A_160, %parallel_loop3A_159 : vector<16xf32>
      %parallel_loop3A_162 = arith.index_cast %parallel_loop3A_153 : i32 to index
      %parallel_loop3A_163 = tpu.vector_load %arg14[%parallel_loop3A_162] {strides = array<i32>} : memref<16384xf32, #tpu.memory_space<vmem>>, vector<16xf32>,
      tpu.vector_store %arg14[%parallel_loop3A_162], %parallel_loop3A_161 {strides = array<i32>} : memref<16384xf32, #tpu.memory_space<vmem>>, vector<16xf32>,
    } {sc.loop_unroll_factor = 16 : i64, sc.parallel_access}
    %add3A_144 = arith.constant 114688 : i32
    %add3A_145 = arith.addi %mul3A_2, %add3A_144 : i32
    %dma_start3A_146 = tpu.memref_slice %arg6[%add3A_145] : memref<4194304xf32, #tpu.memory_space<hbm>> -> memref<16384xf32, #tpu.memory_space<hbm>>
    %dma_start3A_147 = tpu.memref_slice %arg6[%add3A_145] : memref<4194304xf32, #tpu.memory_space<hbm>> -> memref<16384xf32, #tpu.memory_space<hbm>>
    tpu.enqueue_dma source(%arg14 : memref<16384xf32, #tpu.memory_space<vmem>>) target(%dma_start3A_147 : memref<16384xf32, #tpu.memory_space<hbm>>) target_semaphore(%arg20 : memref<!tpu.dma_semaphore, #tpu.memory_space<semaphore_mem>>)
    %dma_wait3A_148 = tpu.memref_slice %arg6[%add3A_132] : memref<4194304xf32, #tpu.memory_space<hbm>> -> memref<16384xf32, #tpu.memory_space<hbm>>
    %dma_wait3A_149 = tpu.memref_slice %arg6[%add3A_132] : memref<4194304xf32, #tpu.memory_space<hbm>> -> memref<16384xf32, #tpu.memory_space<hbm>>
    tpu.wait_dma2 semaphore(%arg19 : memref<!tpu.dma_semaphore, #tpu.memory_space<semaphore_mem>>) src(%arg13 : memref<16384xf32, #tpu.memory_space<vmem>>) dst(%dma_wait3A_149 : memref<16384xf32, #tpu.memory_space<hbm>>)
    %dma_wait3A_150 = tpu.memref_slice %arg6[%add3A_145] : memref<4194304xf32, #tpu.memory_space<hbm>> -> memref<16384xf32, #tpu.memory_space<hbm>>
    %dma_wait3A_151 = tpu.memref_slice %arg6[%add3A_145] : memref<4194304xf32, #tpu.memory_space<hbm>> -> memref<16384xf32, #tpu.memory_space<hbm>>
    tpu.wait_dma2 semaphore(%arg20 : memref<!tpu.dma_semaphore, #tpu.memory_space<semaphore_mem>>) src(%arg14 : memref<16384xf32, #tpu.memory_space<vmem>>) dst(%dma_wait3A_151 : memref<16384xf32, #tpu.memory_space<hbm>>)
    return
  }
}

</mosaic_0001>

<sc_bundles>
// kernel: kernel.3.cloned.1.call-start
scs
__scs_entry_jumppad:
0x0: {  	(pc) =	sbr.rel $0x88, $3  }
0x1: {  	(tag) =	ssettag $0x0;
	lr =	simm.s32 $0x1  }
0x2: {  	[smem:$0x3F9D] =	sst lr;
	_ =	strace $0xD0000000  }
0x3: {  	_ = 	snop  }
0x4: {  	_ = 	snop  }
0x5: {  	_ = 	snop  }
0x6: {  	_ = 	snop  }
0x7: {  	_ = 	snop  }
__scs_overlays_trampoline_lowered:
0x8: {  	[smem:$0x3FAC] =	sst s0  }
0x9: {  	[smem:$0x3FAD] =	sst s1  }
0xa: {  	[smem:$0x3FAE] =	sst s2  }
0xb: {  	[smem:$0x3FAF] =	sst s3  }
0xc: {  	[smem:$0x3FB0] =	sst s4  }
0xd: {  	[smem:$0x3FB1] =	sst s5  }
0xe: {  	[smem:$0x3FB2] =	sst s6  }
0xf: {  	[smem:$0x3FB3] =	sst s7  }
0x10: {  	[smem:$0x3FB4] =	sst s8  }
0x11: {  	[smem:$0x3FB5] =	sst s9;
	s0 =	simm.s32 @!p0 $0x0  }
0x12: {  	s1 =	sld [smem:$0x3F9B];
	s0 =	simm.s32 @p0 $0x1  }
0x13: {  	[smem:$0x3FB6] =	sst s0;
	s0 =	simm.s32 @!p1 $0x0  }
0x14: {  	s2 =	sld [smem:$0x3F9A];
	s0 =	simm.s32 @p1 $0x1  }
0x15: {  	[smem:$0x3FB7] =	sst s0;
	s0 =	simm.s32 @!p2 $0x0  }
0x16: {  	s3 =	sld [smem:$0x3FDB];
	s0 =	simm.s32 @p2 $0x1  }
0x17: {  	s4 =	simm.s32 $0x1BF5;
	[smem:$0x3FB9] =	sst s0  }
0x18: {  	s0 =	sld [smem:$0x3F9C];
	_ =	swait.ge [sflag:s4], $0x0  }
0x19: {  	s7 =	sld [smem:$0x3F9D]  }
0x1a: {  	s8 =	sadd.s32 $0xFFFFE003, lr  }
0x1b: {  	s9 =	sadd.s32 $0xFFFFFEF7, lr;
	s5 =	simm.s32 $0xFFFFFFFF;
	p2 =	slt.u32 s8, $0xFFFFF086  }
0x1c: {  	p1 =	slt.u32 s9, $0xF7A;
	s5 =	simm.s32 @!p2 $0x0  }
0x1d: {  	s5 =	simm.s32 @p1 $0x1;
	p0 =	seq.s32 s7, s2  }
0x1e: {  	s7 =	smul.u32 @!p0 $0xF7A, s2;
	p2 =	seq.s32 @!p0 s5, $0x0  }
0x1f: {  	s9 =	smul.u32 $0xF7A, s1;
	s8 =	simm.s32 @!p0 $0x1BF5;
	p2 =	por !p2, p0  }
0x20: {  	[sflag:s8] =	ssyncset.s32 @!p0 $0xFFFFF086;
	s6 =	sadd.s32 @!p0 s3, s7;
	s7 =	simm.s32 @!p0 $0x108  }
0x21: {  	s3 =	sadd.s32 s3, s9;
	s6 =	sadd.s32 @!p0 $0x88, s6;
	s7 =	simm.s32 @p2 $0x1082  }
0x22: {  	[simem:s7], [sflag:s8] =	dma.local @!p0 [hbm:s6], $0xF7A  }
0x23: {  	s9 =	sor.u32 $0xD0000000, s2;
	s6 =	simm.s32 $0x108;
	_ =	swait.ge @!p0 [sflag:s8], $0x0  }
0x24: {  	s3 =	sadd.s32 $0x88, s3;
	s6 =	simm.s32 @!p1 $0x1082;
	[sflag:s4] =	ssyncset.s32 $0xFFFFF086  }
0x25: {  	[simem:s6], [sflag:s4] =	dma.local [hbm:s3], $0xF7A  }
0x26: {  	[smem:$0x3F9D] =	sst s1;
	(tag) =	ssettag s2;
	_ =	strace s9  }
0x27: {  	s1 =	sld [smem:$0x3FAD]  }
0x28: {  	s2 =	sld [smem:$0x3FAE]  }
0x29: {  	s4 =	sld [smem:$0x3FB0]  }
0x2a: {  	p0 =	seq.s32 s5, $0x0;
	s5 =	sld [smem:$0x3FB1]  }
0x2b: {  	s6 =	sld [smem:$0x3FB2]  }
0x2c: {  	s7 =	sld [smem:$0x3FB3]  }
0x2d: {  	s3 =	simm.s32 $0x108;
	s8 =	sld [smem:$0x3FB4]  }
0x2e: {  	s3 =	simm.s32 @!p0 $0x1082;
	s9 =	sld [smem:$0x3FB5]  }
0x2f: {  	lr =	sadd.s32 s0, s3;
	s0 =	sld [smem:$0x3FAC]  }
0x30: {  	s3 =	sld [smem:$0x3FAF]  }
0x31: {  	[smem:$0x3FB8] =	sst s10  }
0x32: {  	s10 =	sld [smem:$0x3FB6];
	_ =	sdelay $0x3  }
0x33: {  	p0 =	seq.s32 s10, $0x1;
	s10 =	sld [smem:$0x3FB8];
	_ =	sdelay $0x3  }
0x34: {  	[smem:$0x3FB8] =	sst s10  }
0x35: {  	s10 =	sld [smem:$0x3FB7];
	_ =	sdelay $0x3  }
0x36: {  	p1 =	seq.s32 s10, $0x1;
	s10 =	sld [smem:$0x3FB8];
	_ =	sdelay $0x3  }
0x37: {  	[smem:$0x3FB8] =	sst s10  }
0x38: {  	s10 =	sld [smem:$0x3FB9]  }
0x39: {  	_ = 	snop;
	(pc) =	sbr.ind lr, $3  }
0x3a: {  	_ = 	snop  }
0x3b: {  	_ = 	snop  }
0x3c: {  	p2 =	seq.s32 s10, $0x1;
	s10 =	sld [smem:$0x3FB8]  }
0x3d: {  	_ =	shalt  }
0x3e: {  	_ =	shalt  }
0x3f: {  	_ =	shalt  }
0x40: {  	_ =	shalt  }
0x41: {  	_ =	shalt  }
0x42: {  	_ =	shalt  }
0x43: {  	_ =	shalt  }
0x44: {  	_ =	shalt  }
0x45: {  	_ =	shalt  }
0x46: {  	_ =	shalt  }
0x47: {  	_ =	shalt  }
0x48: {  	_ =	shalt  }
0x49: {  	_ =	shalt  }
0x4a: {  	_ =	shalt  }
0x4b: {  	_ =	shalt  }
0x4c: {  	_ =	shalt  }
0x4d: {  	_ =	shalt  }
0x4e: {  	_ =	shalt  }
0x4f: {  	_ =	shalt  }
0x50: {  	_ =	shalt  }
0x51: {  	_ =	shalt  }
0x52: {  	_ =	shalt  }
0x53: {  	_ =	shalt  }
0x54: {  	_ =	shalt  }
0x55: {  	_ =	shalt  }
0x56: {  	_ =	shalt  }
0x57: {  	_ =	shalt  }
0x58: {  	_ =	shalt  }
0x59: {  	_ =	shalt  }
0x5a: {  	_ =	shalt  }
0x5b: {  	_ =	shalt  }
0x5c: {  	_ =	shalt  }
0x5d: {  	_ =	shalt  }
0x5e: {  	_ =	shalt  }
0x5f: {  	_ =	shalt  }
0x60: {  	_ =	shalt  }
0x61: {  	_ =	shalt  }
0x62: {  	_ =	shalt  }
0x63: {  	_ =	shalt  }
0x64: {  	_ =	shalt  }
0x65: {  	_ =	shalt  }
0x66: {  	_ =	shalt  }
0x67: {  	_ =	shalt  }
0x68: {  	_ =	shalt  }
0x69: {  	_ =	shalt  }
0x6a: {  	_ =	shalt  }
0x6b: {  	_ =	shalt  }
0x6c: {  	_ =	shalt  }
0x6d: {  	_ =	shalt  }
0x6e: {  	_ =	shalt  }
0x6f: {  	_ =	shalt  }
0x70: {  	_ =	shalt  }
0x71: {  	_ =	shalt  }
0x72: {  	_ =	shalt  }
0x73: {  	_ =	shalt  }
0x74: {  	_ =	shalt  }
0x75: {  	_ =	shalt  }
0x76: {  	_ =	shalt  }
0x77: {  	_ =	shalt  }
0x78: {  	_ =	shalt  }
0x79: {  	_ =	shalt  }
0x7a: {  	_ =	shalt  }
0x7b: {  	_ =	shalt  }
0x7c: {  	_ =	shalt  }
0x7d: {  	_ =	shalt  }
0x7e: {  	_ =	shalt  }
0x7f: {  	_ =	shalt  }
0x80: {  	_ =	shalt  }
0x81: {  	_ =	shalt  }
0x82: {  	_ =	shalt  }
0x83: {  	_ =	shalt  }
0x84: {  	_ =	shalt  }
0x85: {  	_ =	shalt  }
0x86: {  	_ =	shalt  }
0x87: {  	_ =	shalt  }
.Lfunc_end0:
.L_simem_size_0:
called_computation_lowered:
.L_overlay_start_0:
0x88: {  	s2 =	sld [smem:$0x3FD9]  }
0x89: {  	s3 =	sld [smem:$0x3FFE];
	_ =	sdelay $0x1  }
0x8a: {  	s1 =	srdreg.scid  }
0x8b: {  	s0 =	sand.u32 $0x1, s1  }
0x8c: {  	s17 =	sshll.u32 s0, $0xA;
	s2 =	sadd.s32 s3, s2  }
0x8d: {  	s2 =	sadd.s32 s2, s17  }
0x8e: {  	[smem:$0x3FC4] =	sst s2  }
0x8f: {  	_ = 	snop  }
0x90: {  	s2 =	sld [smem:$0x3FC9]  }
0x91: {  	s18 =	sld [smem:$0x3FC8]  }
0x92: {  	s4 =	sld [smem:$0x3FD0];
	(tm) =	ssettm $0x1  }
0x93: {  	s5 =	sld [smem:$0x3FFB];
	_ =	sdelay $0x3  }
0x94: {  	_ =	strace s5  }
0x95: {  	s5 =	sld [smem:$0x3FFC];
	_ =	sdelay $0x3  }
0x96: {  	_ =	strace s5  }
0x97: {  	s5 =	sld [smem:$0x3FFD];
	_ =	sdelay $0x3  }
0x98: {  	_ =	strace s5  }
0x99: {  	_ =	strace $0x8FFFFFFF  }
0x9a: {  	s19 =	sld [smem:$0x3FDB];
	_ =	sdelay $0x1  }
0x9b: {  	s6 =	simm.s32 $_scs_section_size  }
0x9c: {  	s7 =	simm.s32 $_size__tile_overlayer_lowered;
	s8 =	simm.s32 $_tile_overlayer_lowered  }
0x9d: {  	s22 =	simm.s32 $0x1BFF;
	s21 =	sshll.u32 s8, $0x1;
	s5 =	sadd.s32 s6, s19  }
0x9e: {  	s9 =	simm.s32 $0x0;
	s20 =	sshll.u32 s7, $0x1;
	s7 =	sadd.s32 s21, s5  }
0x9f: {  	[timem:s9], [sflag:s22] =	dma.local [hbm:s7], s20  }
0xa0: {  	_ =	swait.ge [sflag:s22], s20  }
0xa1: {  	s6 =	ssub.s32 $0x0, s20;
	[sflag:s22] =	ssyncset.done $0x0  }
0xa2: {  	[sflag:s22] =	ssyncadd.s32 s6;
	_ =	sdelay $0x1  }
0xa3: {  	s23 =	simm.s32 $0x1B8B  }
0xa4: {  	_ =	swait.ge [sflag:s23], $0x1  }
0xa5: {  	[sflag:s23] =	ssyncset.done $0x0  }
0xa6: {  	s25 =	simm.s32 $0x1B8E;
	s24 =	sld [smem:$0x3FFE];
	[sflag:s23] =	ssyncadd.s32 $0xFFFFFFFF  }
0xa7: {  	s26 =	simm.s32 $execute0_lowered;
	[smem:$0x3FD2] =	sst s25  }
0xa8: {  	s7 =	sshll.u32 s26, $0x1;
	_ =	strace $0x80000046;
	[dreg:$0x1] =	wrdreg $0xFFFFFFFF  }
0xa9: {  	s28 =	simm.s32 $_size_execute0_lowered;
	s5 =	sadd.s32 s5, s7;
	[dreg:$0x0] =	wrdreg $0x0  }
0xaa: {  	s7 =	sshll.u32 s28, $0x1;
	[dreg:$0x2] =	wrdreg s5  }
0xab: {  	[dreg:$0x3] =	wrdreg s7  }
0xac: {  	[dreg:$0x4] =	wrdreg $0xC0  }
0xad: {  	_ =	task [dreg:s9], $0x5FFFF  }
0xae: {  	[dreg:$0x1] =	wrdreg $0xFFFFFFFF  }
0xaf: {  	[dreg:$0x0] =	wrdreg $0x60  }
0xb0: {  	[dreg:$0x2] =	wrdreg s2  }
0xb1: {  	[dreg:$0x3] =	wrdreg s18  }
0xb2: {  	[dreg:$0x4] =	wrdreg s24  }
0xb3: {  	[dreg:$0x5] =	wrdreg s4  }
0xb4: {  	[dreg:$0x6] =	wrdreg $0x9  }
0xb5: {  	_ =	task.clear_ibuf [dreg:s9], $0x7FFFF;
	_ =	strace $0x90000046  }
0xb6: {  	s29 =	simm.s32 $0x9;
	_ =	strace $0x80000048  }
0xb7: {  	_ =	swait.ge [sflag:s29], $0x1  }
0xb8: {  	[sflag:s29] =	ssyncadd.s32 $0xFFFFFFFF  }
0xb9: {  	_ =	strace $0x90000048  }
0xba: {  	_ =	sfence  }
0xbb: {  	s30 =	sld [smem:$0x0];
	_ =	sdelay $0x2  }
0xbc: {  	s31 =	sshll.u32 s1, $0xD;
	s1 =	sshrl.u32 s1, $0x2  }
0xbd: {  	s3 =	sand.u32 $0x4000, s31;
	s1 =	sadd.s32 s1, s30  }
0xbe: {  	s0 =	sor.u32 s3, s0;
	s1 =	sshll.u32 s1, $0x11  }
0xbf: {  	s0 =	sor.u32 s1, s0  }
0xc0: {  	s0 =	sadd.s32 $0x8F2B, s0  }
0xc1: {  	[sflag:s0] =	ssyncadd.remote.s32 $0x1  }
0xc2: {  	_ =	sfence.sel $0xFFFF  }
0xc3: {  	[dreg:$0x0] =	wrdreg $0xFFFFFFFF;
	(pc) =	sbr.abs _section_cstart, $3  }
0xc4: {  	[dreg:$0x1] =	wrdreg $0xFFFFFFFF  }
0xc5: {  	_ =	task.clear_ibuf [dreg:s9], $0x2FFFF;
	_ =	strace $0x9FFFFFFF  }
0xc6: {  	(tm) =	ssettm $0x7FFFFFFF  }
0xc7: {  	_ =	shalt  }
tec
execute0_lowered:
.L_overlay_start_1:
0x0: {  	(tag) =	ssettag $0x1  }
0x1: {  	s0 =	rddreg [dreg:$0x0]  }
0x2: {  	s2 =	rddreg [dreg:$0x1];
	s1 =	srdreg.scid  }
0x3: {  	s3 =	rddreg [dreg:$0x3];
	s5 =	stileid.u32;
	s1 =	sand.u32 $0x1, s1  }
0x4: {  	s31 =	simm.s32 $0x7;
	s5 =	sshll.u32 s5, $0xF;
	s6 =	sshll.u32 s1, $0xE  }
0x5: {  	s4 =	ssub.s32 $0x2, s1;
	s1 =	simm.s32 $0x0;
	s5 =	sor.u32 s6, s5  }
0x6: {  	s7 =	sshrl.u32 s4, $0x1;
	[smem:$0x7FF] =	sst s1;
	s19 =	sadd.s32 s0, s5  }
0x7: {  	s4 =	ssub.s32 s4, s7;
	s20 =	sadd.s32 s2, s5;
	[dreg:$0x5] =	wrdreg s19  }
0x8: {  	s6 =	sor.u32 $0x800, s5;
	s23 =	sadd.s32 s3, s5;
	[dreg:$0x6] =	wrdreg s20  }
0x9: {  	s24 =	sor.u32 $0x1000, s5;
	s26 =	sor.u32 $0x1800, s5;
	[dreg:$0x9] =	wrdreg s23  }
0xa: {  	s10 =	sor.u32 $0x2000, s5;
	s21 =	sadd.s32 s0, s6;
	s20 =	rddreg [dreg:$0x2]  }
0xb: {  	s14 =	sor.u32 $0x2800, s5;
	s22 =	sadd.s32 s2, s6;
	[dreg:$0x7] =	wrdreg s21  }
0xc: {  	s17 =	sor.u32 $0x3000, s5;
	s8 =	sadd.s32 s0, s24;
	[dreg:$0x8] =	wrdreg s22  }
0xd: {  	s5 =	sor.u32 $0x3800, s5;
	s25 =	sadd.s32 s2, s24;
	[dreg:$0xa] =	wrdreg s8  }
0xe: {  	s6 =	sadd.s32 s3, s6;
	s9 =	sadd.s32 s0, s26;
	[dreg:$0xb] =	wrdreg s25  }
0xf: {  	s7 =	sadd.s32 s3, s24;
	s11 =	sadd.s32 s0, s10;
	[dreg:$0xc] =	wrdreg s6  }
0x10: {  	s12 =	sadd.s32 s2, s10;
	s13 =	sadd.s32 s3, s26;
	[dreg:$0xd] =	wrdreg s9  }
0x11: {  	s15 =	sadd.s32 s0, s14;
	s16 =	sadd.s32 s2, s14;
	[dreg:$0xf] =	wrdreg s7  }
0x12: {  	s18 =	sadd.s32 s3, s10;
	s19 =	sadd.s32 s3, s14;
	[dreg:$0x10] =	wrdreg s11  }
0x13: {  	s23 =	sadd.s32 s2, s17;
	s24 =	sadd.s32 s2, s5;
	[dreg:$0x11] =	wrdreg s12  }
0x14: {  	s30 =	smax.u32 s4, $0x1;
	s4 =	simm.s32 $0xC100;
	[dreg:$0x12] =	wrdreg s13  }
0x15: {  	s10 =	simm.s32 $0x14100;
	s9 =	sadd.s32 s2, s26;
	[dreg:$0x13] =	wrdreg s15  }
0x16: {  	[dreg:$0x14] =	wrdreg s16;
	s21 =	sadd.s32 s0, s17;
	s22 =	sadd.s32 s0, s5  }
0x17: {  	s25 =	sadd.s32 s3, s17;
	s26 =	sadd.s32 s3, s5;
	s28 =	sadd.s32 $0x400, s20  }
0x18: {  	s29 =	sadd.s32 $0x600, s20;
	s20 =	simm.s32 $0x80;
	s0 =	simm.s32 $0x100  }
0x19: {  	s2 =	simm.s32 $0x8100;
	s3 =	simm.s32 $0x4100;
	s5 =	simm.s32 $0x1  }
0x1a: {  	s6 =	simm.s32 $0x3;
	s7 =	simm.s32 $0x10100;
	s8 =	simm.s32 $0x2  }
0x1b: {  	s11 =	simm.s32 $0x5;
	s12 =	simm.s32 $0x6;
	[dreg:$0xe] =	wrdreg s9  }
0x1c: {  	s13 =	simm.s32 $0x0;
	s9 =	simm.s32 $0x4;
	_ =	strace $0x80000047  }
.LBB2_1:
0x1d: {  	[tilespmem:s1], [sflag:$0x7] =	stream.linear.gather [hbm4b:s28+s1], $0x80, $0x38;
	[tilespmem:$0x18100] =	vst v63  }
0x1e: {  	_ =	swait.ge [sflag:s31], $0x80  }
0x1f: {  	[sflag:s31] =	ssyncset.done $0x0  }
0x20: {  	[sflag:s31] =	ssyncadd.s32 $0xFFFFFF80  }
0x21: {  	[tilespmem:s20], [sflag:$0x7] =	stream.linear.gather [hbm4b:s29+s1], $0x80, $0x38;
	[tilespmem:$0x18100] =	vst v63  }
0x22: {  	_ =	swait.ge [sflag:s31], $0x80  }
0x23: {  	[sflag:s31] =	ssyncset.done $0x0  }
0x24: {  	s14 =	rddreg [dreg:$0x5];
	[sflag:s31] =	ssyncadd.s32 $0xFFFFFF80  }
0x25: {  	[tilespmem:s0], [sflag:$0x1] =	stream.linear.gather [hbm4b:s14+s1], $0x4000, $0x38;
	[tilespmem:$0x18100] =	vst v63  }
0x26: {  	s15 =	rddreg [dreg:$0x6]  }
0x27: {  	[tilespmem:s2], [sflag:$0x3] =	stream.linear.gather [hbm4b:s15+s1], $0x4000, $0x38;
	[tilespmem:$0x18100] =	vst v63  }
0x28: {  	s16 =	rddreg [dreg:$0x7]  }
0x29: {  	[tilespmem:s3], [sflag:$0x2] =	stream.linear.gather [hbm4b:s16+s1], $0x4000, $0x38;
	[tilespmem:$0x18100] =	vst v63  }
0x2a: {  	s17 =	rddreg [dreg:$0x8]  }
0x2b: {  	[tilespmem:s4], [sflag:$0x4] =	stream.linear.gather [hbm4b:s17+s1], $0x4000, $0x38;
	[tilespmem:$0x18100] =	vst v63  }
0x2c: {  	_ =	swait.ge [sflag:s5], $0x4000  }
0x2d: {  	[sflag:s5] =	ssyncset.done $0x0  }
0x2e: {  	[sflag:s5] =	ssyncadd.s32 $0xFFFFC000  }
0x2f: {  	_ =	swait.ge [sflag:s6], $0x4000  }
0x30: {  	[sflag:s6] =	ssyncset.done $0x0  }
0x31: {  	s15 =	simm.s32 $0x8180;
	[sflag:s6] =	ssyncadd.s32 $0xFFFFC000  }
0x32: {  	v0 =	vld [tilespmem:s15+$0x70]  }
0x33: {  	v1 =	vld [tilespmem:s15+$0xFFFFFF90]  }
0x34: {  	v2 =	vld [tilespmem:s15+$0xFFFFFFA0]  }
0x35: {  	v3 =	vld [tilespmem:s15+$0xFFFFFFB0]  }
0x36: {  	v4 =	vld [tilespmem:s15+$0xFFFFFFC0]  }
0x37: {  	v5 =	vld [tilespmem:s15+$0xFFFFFFD0]  }
0x38: {  	v6 =	vld [tilespmem:s15+$0xFFFFFFE0]  }
0x39: {  	s14 =	simm.s32 $0x180;
	v7 =	vld [tilespmem:s15+$0xFFFFFFF0]  }
0x3a: {  	v9 =	vld [tilespmem:s14+$0x70]  }
0x3b: {  	v10 =	vld [tilespmem:s15+$0x0]  }
0x3c: {  	v11 =	vld [tilespmem:s15+$0x10]  }
0x3d: {  	v12 =	vld [tilespmem:s15+$0x20]  }
0x3e: {  	v13 =	vld [tilespmem:s15+$0x30]  }
0x3f: {  	v14 =	vld [tilespmem:s15+$0x40]  }
0x40: {  	v15 =	vld [tilespmem:s15+$0x50]  }
0x41: {  	v16 =	vld [tilespmem:s15+$0x60]  }
0x42: {  	v17 =	vld [tilespmem:s15+$0xFFFFFF80]  }
0x43: {  	v33 =	vld [tilespmem:s14+$0xFFFFFF80]  }
0x44: {  	v34 =	vld [tilespmem:s14+$0xFFFFFF90]  }
0x45: {  	v35 =	vld [tilespmem:s14+$0xFFFFFFA0]  }
0x46: {  	v36 =	vld [tilespmem:s14+$0xFFFFFFB0]  }
0x47: {  	v37 =	vld [tilespmem:s14+$0xFFFFFFC0]  }
0x48: {  	v38 =	vld [tilespmem:s14+$0xFFFFFFD0]  }
0x49: {  	v39 =	vld [tilespmem:s14+$0xFFFFFFE0]  }
0x4a: {  	v40 =	vld [tilespmem:s14+$0xFFFFFFF0]  }
0x4b: {  	v41 =	vld [tilespmem:s14+$0x0]  }
0x4c: {  	v42 =	vld [tilespmem:s14+$0x10]  }
0x4d: {  	v45 =	vld [tilespmem:s14+$0x40]  }
0x4e: {  	v46 =	vld [tilespmem:s14+$0x50]  }
0x4f: {  	v8 =	vld.idx.msk [tilespmem:v0+s1+$0x0], $0xffff  }
0x50: {  	v0 =	vld.idx.msk [tilespmem:v0+s20+$0x0], $0xffff  }
0x51: {  	v18 =	vld.idx.msk [tilespmem:v1+s1+$0x0], $0xffff  }
0x52: {  	v19 =	vld.idx.msk [tilespmem:v2+s1+$0x0], $0xffff  }
0x53: {  	v20 =	vld.idx.msk [tilespmem:v3+s1+$0x0], $0xffff  }
0x54: {  	v21 =	vld.idx.msk [tilespmem:v4+s1+$0x0], $0xffff  }
0x55: {  	v22 =	vld.idx.msk [tilespmem:v5+s1+$0x0], $0xffff  }
0x56: {  	v23 =	vld.idx.msk [tilespmem:v6+s1+$0x0], $0xffff  }
0x57: {  	v24 =	vld.idx.msk [tilespmem:v7+s1+$0x0], $0xffff  }
0x58: {  	v25 =	vld.idx.msk [tilespmem:v17+s1+$0x0], $0xffff  }
0x59: {  	v26 =	vld.idx.msk [tilespmem:v10+s1+$0x0], $0xffff  }
0x5a: {  	v27 =	vld.idx.msk [tilespmem:v11+s1+$0x0], $0xffff  }
0x5b: {  	v28 =	vld.idx.msk [tilespmem:v12+s1+$0x0], $0xffff  }
0x5c: {  	v29 =	vld.idx.msk [tilespmem:v13+s1+$0x0], $0xffff  }
0x5d: {  	v30 =	vld.idx.msk [tilespmem:v14+s1+$0x0], $0xffff  }
0x5e: {  	v31 =	vld.idx.msk [tilespmem:v15+s1+$0x0], $0xffff  }
0x5f: {  	v32 =	vld.idx.msk [tilespmem:v16+s1+$0x0], $0xffff  }
0x60: {  	v17 =	vld.idx.msk [tilespmem:v17+s20+$0x0], $0xffff  }
0x61: {  	v1 =	vld.idx.msk [tilespmem:v1+s20+$0x0], $0xffff  }
0x62: {  	v2 =	vld.idx.msk [tilespmem:v2+s20+$0x0], $0xffff  }
0x63: {  	v3 =	vld.idx.msk [tilespmem:v3+s20+$0x0], $0xffff  }
0x64: {  	v4 =	vld.idx.msk [tilespmem:v4+s20+$0x0], $0xffff  }
0x65: {  	v5 =	vld.idx.msk [tilespmem:v5+s20+$0x0], $0xffff  }
0x66: {  	v58 =	vld.idx.msk [tilespmem:v6+s20+$0x0], $0xffff  }
0x67: {  	v61 =	vld.idx.msk [tilespmem:v7+s20+$0x0], $0xffff;
	v8 =	vmul.f32 v8, v9  }
0x68: {  	v63 =	vld.idx.msk [tilespmem:v10+s20+$0x0], $0xffff;
	v9 =	vmul.f32 v18, v34  }
0x69: {  	v6 =	vld.idx.msk [tilespmem:v11+s20+$0x0], $0xffff;
	v55 =	vmul.f32 v20, v36;
	v0 =	vadd.f32 v0, v8  }
0x6a: {  	s15 =	simm.s32 $0x10180;
	v7 =	vld.idx.msk [tilespmem:v12+s20+$0x0], $0xffff;
	v56 =	vmul.f32 v21, v37;
	v1 =	vadd.f32 v1, v9  }
0x6b: {  	v43 =	vld [tilespmem:s14+$0x20];
	v57 =	vmul.f32 v22, v38;
	v59 =	vmul.f32 v23, v39;
	v3 =	vadd.f32 v3, v55;
	[tilespmem:s15+$0x70] =	vst v0  }
0x6c: {  	v44 =	vld [tilespmem:s14+$0x30];
	v60 =	vmul.f32 v24, v40;
	v8 =	vmul.f32 v25, v33;
	v9 =	vadd.f32 v4, v56;
	[tilespmem:s15+$0xFFFFFF90] =	vst v1  }
0x6d: {  	v47 =	vld [tilespmem:s14+$0x60];
	v62 =	vmul.f32 v26, v41;
	v10 =	vadd.f32 v5, v57;
	v4 =	vmul.f32 v30, v45;
	[tilespmem:s15+$0xFFFFFFB0] =	vst v3  }
0x6e: {  	v11 =	vadd.f32 v58, v59;
	v0 =	vmul.f32 v19, v35;
	v8 =	vadd.f32 v17, v8;
	[tilespmem:s15+$0xFFFFFFC0] =	vst v9  }
0x6f: {  	v5 =	vmul.f32 v31, v46;
	v12 =	vadd.f32 v63, v62;
	v9 =	vld.idx.msk [tilespmem:v14+s20+$0x0], $0xffff;
	[tilespmem:s15+$0xFFFFFFD0] =	vst v10  }
0x70: {  	v1 =	vmul.f32 v28, v43;
	[tilespmem:s15+$0xFFFFFF80] =	vst v8;
	v2 =	vadd.f32 v2, v0;
	v8 =	vld.idx.msk [tilespmem:v13+s20+$0x0], $0xffff  }
0x71: {  	v10 =	vld.idx.msk [tilespmem:v15+s20+$0x0], $0xffff;
	[tilespmem:s15+$0xFFFFFFE0] =	vst v11;
	v0 =	vmul.f32 v27, v42;
	v13 =	vadd.f32 v61, v60  }
0x72: {  	s16 =	simm.s32 $0x0;
	s17 =	simm.s32 $0x8280;
	v3 =	vmul.f32 v32, v47;
	v11 =	vld.idx.msk [tilespmem:v16+s20+$0x0], $0xffff;
	[tilespmem:s15+$0xFFFFFFA0] =	vst v2;
	v2 =	vmul.f32 v29, v44  }
.LBB2_2:
0x73: {  	v14 =	vld [tilespmem:s17+$0x70];
	s16 =	sadd.s32 $0x100, s16;
	[tilespmem:s15+$0xFFFFFFF0] =	vst v13;
	v0 =	vadd.f32 v6, v0  }
0x74: {  	v1 =	vadd.f32 v7, v1;
	v6 =	vld [tilespmem:s17+$0xFFFFFF90];
	p0 =	slt.u32 s16, $0x3F00;
	[tilespmem:s15+$0x0] =	vst v12  }
0x75: {  	v7 =	vld [tilespmem:s17+$0xFFFFFFA0];
	[tilespmem:s15+$0x10] =	vst v0;
	v0 =	vadd.f32 v8, v2  }
0x76: {  	v8 =	vld [tilespmem:s17+$0xFFFFFFB0];
	[tilespmem:s15+$0x20] =	vst v1;
	v1 =	vadd.f32 v9, v4  }
0x77: {  	v9 =	vld [tilespmem:s17+$0xFFFFFFC0];
	[tilespmem:s15+$0x30] =	vst v0;
	v0 =	vadd.f32 v10, v5  }
0x78: {  	v10 =	vld [tilespmem:s17+$0xFFFFFFD0];
	[tilespmem:s15+$0x40] =	vst v1;
	v1 =	vadd.f32 v11, v3  }
0x79: {  	v11 =	vld [tilespmem:s17+$0xFFFFFFE0];
	[tilespmem:s15+$0x50] =	vst v0  }
0x7a: {  	v12 =	vld [tilespmem:s17+$0xFFFFFFF0];
	[tilespmem:s15+$0x60] =	vst v1  }
0x7b: {  	s14 =	sadd.s32 $0x100, s14;
	v0 =	vld.idx.msk [tilespmem:v14+s1+$0x0], $0xffff  }
0x7c: {  	v1 =	vld [tilespmem:s14+$0x70]  }
0x7d: {  	v2 =	vld.idx.msk [tilespmem:v14+s20+$0x0], $0xffff  }
0x7e: {  	v13 =	vld [tilespmem:s17+$0x0]  }
0x7f: {  	v14 =	vld [tilespmem:s17+$0x10]  }
0x80: {  	v15 =	vld [tilespmem:s17+$0x20]  }
0x81: {  	v16 =	vld [tilespmem:s17+$0x30];
	v0 =	vmul.f32 v0, v1  }
0x82: {  	v17 =	vld [tilespmem:s17+$0x40]  }
0x83: {  	v18 =	vld [tilespmem:s17+$0x50];
	v0 =	vadd.f32 v2, v0  }
0x84: {  	s15 =	sadd.s32 $0x100, s15;
	v19 =	vld [tilespmem:s17+$0x60]  }
0x85: {  	v1 =	vld [tilespmem:s17+$0xFFFFFF80];
	[tilespmem:s15+$0x70] =	vst v0  }
0x86: {  	v0 =	vld.idx.msk [tilespmem:v6+s1+$0x0], $0xffff  }
0x87: {  	v2 =	vld.idx.msk [tilespmem:v7+s1+$0x0], $0xffff  }
0x88: {  	v3 =	vld.idx.msk [tilespmem:v8+s1+$0x0], $0xffff  }
0x89: {  	v4 =	vld.idx.msk [tilespmem:v9+s1+$0x0], $0xffff  }
0x8a: {  	v5 =	vld.idx.msk [tilespmem:v10+s1+$0x0], $0xffff  }
0x8b: {  	v20 =	vld.idx.msk [tilespmem:v11+s1+$0x0], $0xffff  }
0x8c: {  	v21 =	vld.idx.msk [tilespmem:v12+s1+$0x0], $0xffff  }
0x8d: {  	v22 =	vld.idx.msk [tilespmem:v1+s1+$0x0], $0xffff  }
0x8e: {  	v23 =	vld.idx.msk [tilespmem:v13+s1+$0x0], $0xffff  }
0x8f: {  	v24 =	vld.idx.msk [tilespmem:v14+s1+$0x0], $0xffff  }
0x90: {  	v25 =	vld.idx.msk [tilespmem:v15+s1+$0x0], $0xffff  }
0x91: {  	v26 =	vld.idx.msk [tilespmem:v16+s1+$0x0], $0xffff  }
0x92: {  	v27 =	vld.idx.msk [tilespmem:v17+s1+$0x0], $0xffff  }
0x93: {  	v28 =	vld.idx.msk [tilespmem:v18+s1+$0x0], $0xffff  }
0x94: {  	v29 =	vld.idx.msk [tilespmem:v19+s1+$0x0], $0xffff  }
0x95: {  	v30 =	vld [tilespmem:s14+$0xFFFFFF80]  }
0x96: {  	v31 =	vld [tilespmem:s14+$0xFFFFFF90]  }
0x97: {  	v32 =	vld [tilespmem:s14+$0xFFFFFFA0]  }
0x98: {  	v33 =	vld [tilespmem:s14+$0xFFFFFFB0]  }
0x99: {  	v34 =	vld [tilespmem:s14+$0xFFFFFFC0]  }
0x9a: {  	v22 =	vmul.f32 v22, v30;
	v30 =	vld [tilespmem:s14+$0xFFFFFFD0]  }
0x9b: {  	v31 =	vmul.f32 v0, v31;
	v0 =	vld [tilespmem:s14+$0xFFFFFFE0]  }
0x9c: {  	v32 =	vmul.f32 v2, v32;
	v2 =	vld [tilespmem:s14+$0xFFFFFFF0]  }
0x9d: {  	v33 =	vmul.f32 v3, v33;
	v3 =	vld [tilespmem:s14+$0x0]  }
0x9e: {  	v34 =	vmul.f32 v4, v34;
	v4 =	vld [tilespmem:s14+$0x10]  }
0x9f: {  	v30 =	vmul.f32 v5, v30;
	v5 =	vld [tilespmem:s14+$0x20]  }
0xa0: {  	v20 =	vmul.f32 v20, v0;
	v35 =	vld [tilespmem:s14+$0x30]  }
0xa1: {  	v21 =	vmul.f32 v21, v2;
	v36 =	vld [tilespmem:s14+$0x40]  }
0xa2: {  	v23 =	vmul.f32 v23, v3;
	v3 =	vld [tilespmem:s14+$0x50]  }
0xa3: {  	v0 =	vmul.f32 v24, v4;
	v24 =	vld [tilespmem:s14+$0x60]  }
0xa4: {  	v37 =	vld.idx.msk [tilespmem:v1+s20+$0x0], $0xffff;
	v1 =	vmul.f32 v25, v5  }
0xa5: {  	v6 =	vld.idx.msk [tilespmem:v6+s20+$0x0], $0xffff;
	v2 =	vmul.f32 v26, v35  }
0xa6: {  	v7 =	vld.idx.msk [tilespmem:v7+s20+$0x0], $0xffff;
	v4 =	vmul.f32 v27, v36  }
0xa7: {  	v8 =	vld.idx.msk [tilespmem:v8+s20+$0x0], $0xffff;
	v5 =	vmul.f32 v28, v3  }
0xa8: {  	v9 =	vld.idx.msk [tilespmem:v9+s20+$0x0], $0xffff;
	v3 =	vmul.f32 v29, v24  }
0xa9: {  	v10 =	vld.idx.msk [tilespmem:v10+s20+$0x0], $0xffff  }
0xaa: {  	v22 =	vadd.f32 v37, v22;
	v11 =	vld.idx.msk [tilespmem:v11+s20+$0x0], $0xffff  }
0xab: {  	v6 =	vadd.f32 v6, v31;
	v12 =	vld.idx.msk [tilespmem:v12+s20+$0x0], $0xffff  }
0xac: {  	v7 =	vadd.f32 v7, v32;
	[tilespmem:s15+$0xFFFFFF80] =	vst v22;
	v22 =	vld.idx.msk [tilespmem:v13+s20+$0x0], $0xffff  }
0xad: {  	v8 =	vadd.f32 v8, v33;
	[tilespmem:s15+$0xFFFFFF90] =	vst v6;
	v6 =	vld.idx.msk [tilespmem:v14+s20+$0x0], $0xffff  }
.Ltmp0:
0xae: {  	v9 =	vadd.f32 v9, v34;
	[tilespmem:s15+$0xFFFFFFA0] =	vst v7;
	v7 =	vld.idx.msk [tilespmem:v15+s20+$0x0], $0xffff;
	(pc) =	sbr.rel @p0 .LBB2_2-.Ltmp0, $4  }
0xaf: {  	v10 =	vadd.f32 v10, v30;
	[tilespmem:s15+$0xFFFFFFB0] =	vst v8;
	v8 =	vld.idx.msk [tilespmem:v16+s20+$0x0], $0xffff  }
0xb0: {  	v11 =	vadd.f32 v11, v20;
	[tilespmem:s15+$0xFFFFFFC0] =	vst v9;
	v9 =	vld.idx.msk [tilespmem:v17+s20+$0x0], $0xffff  }
0xb1: {  	v13 =	vadd.f32 v12, v21;
	[tilespmem:s15+$0xFFFFFFD0] =	vst v10;
	v10 =	vld.idx.msk [tilespmem:v18+s20+$0x0], $0xffff  }
0xb2: {  	s17 =	sadd.s32 $0x100, s17;
	v12 =	vadd.f32 v22, v23;
	[tilespmem:s15+$0xFFFFFFE0] =	vst v11;
	v11 =	vld.idx.msk [tilespmem:v19+s20+$0x0], $0xffff  }
0xb3: {  	[tilespmem:s15+$0xFFFFFFF0] =	vst v13;
	v0 =	vadd.f32 v6, v0  }
0xb4: {  	v1 =	vadd.f32 v7, v1;
	[tilespmem:s15+$0x0] =	vst v12  }
0xb5: {  	[tilespmem:s15+$0x10] =	vst v0;
	v0 =	vadd.f32 v8, v2  }
0xb6: {  	[tilespmem:s15+$0x20] =	vst v1;
	v1 =	vadd.f32 v9, v4  }
0xb7: {  	[tilespmem:s15+$0x30] =	vst v0;
	v0 =	vadd.f32 v10, v5  }
0xb8: {  	[tilespmem:s15+$0x40] =	vst v1;
	v1 =	vadd.f32 v11, v3  }
0xb9: {  	[tilespmem:s15+$0x50] =	vst v0  }
0xba: {  	[tilespmem:s15+$0x60] =	vst v1  }
0xbb: {  	s14 =	rddreg [dreg:$0x9]  }
0xbc: {  	[hbm4b:s14+s1] =	stream.linear.scatter [tilespmem:s7], [sflag:$0x5], $0x4000, $0x38;
	[tilespmem:$0x18100] =	vst v63  }
0xbd: {  	s15 =	rddreg [dreg:$0xa]  }
0xbe: {  	[tilespmem:s0], [sflag:$0x1] =	stream.linear.gather [hbm4b:s15+s1], $0x4000, $0x38;
	[tilespmem:$0x18100] =	vst v63  }
0xbf: {  	s16 =	rddreg [dreg:$0xb]  }
0xc0: {  	[tilespmem:s2], [sflag:$0x3] =	stream.linear.gather [hbm4b:s16+s1], $0x4000, $0x38;
	[tilespmem:$0x18100] =	vst v63  }
0xc1: {  	_ =	swait.ge [sflag:s8], $0x4000  }
0xc2: {  	[sflag:s8] =	ssyncset.done $0x0  }
0xc3: {  	[sflag:s8] =	ssyncadd.s32 $0xFFFFC000  }
0xc4: {  	_ =	swait.ge [sflag:s9], $0x4000  }
0xc5: {  	[sflag:s9] =	ssyncset.done $0x0  }
0xc6: {  	s17 =	simm.s32 $0xC180;
	[sflag:s9] =	ssyncadd.s32 $0xFFFFC000  }
0xc7: {  	v0 =	vld [tilespmem:s17+$0x70]  }
0xc8: {  	v1 =	vld [tilespmem:s17+$0xFFFFFF90]  }
0xc9: {  	v2 =	vld [tilespmem:s17+$0xFFFFFFA0]  }
0xca: {  	v3 =	vld [tilespmem:s17+$0xFFFFFFB0]  }
0xcb: {  	v4 =	vld [tilespmem:s17+$0xFFFFFFC0]  }
0xcc: {  	v5 =	vld [tilespmem:s17+$0xFFFFFFD0]  }
0xcd: {  	v6 =	vld [tilespmem:s17+$0xFFFFFFE0]  }
0xce: {  	s14 =	simm.s32 $0x4180;
	v7 =	vld [tilespmem:s17+$0xFFFFFFF0]  }
0xcf: {  	v9 =	vld [tilespmem:s14+$0x70]  }
0xd0: {  	v10 =	vld [tilespmem:s17+$0x0]  }
0xd1: {  	v11 =	vld [tilespmem:s17+$0x10]  }
0xd2: {  	v12 =	vld [tilespmem:s17+$0x20]  }
0xd3: {  	v13 =	vld [tilespmem:s17+$0x30]  }
0xd4: {  	v14 =	vld [tilespmem:s17+$0x40]  }
0xd5: {  	v15 =	vld [tilespmem:s17+$0x50]  }
0xd6: {  	v16 =	vld [tilespmem:s17+$0x60]  }
0xd7: {  	v17 =	vld [tilespmem:s17+$0xFFFFFF80]  }
0xd8: {  	v33 =	vld [tilespmem:s14+$0xFFFFFF80]  }
0xd9: {  	v34 =	vld [tilespmem:s14+$0xFFFFFF90]  }
0xda: {  	v35 =	vld [tilespmem:s14+$0xFFFFFFA0]  }
0xdb: {  	v36 =	vld [tilespmem:s14+$0xFFFFFFB0]  }
0xdc: {  	v37 =	vld [tilespmem:s14+$0xFFFFFFC0]  }
0xdd: {  	v38 =	vld [tilespmem:s14+$0xFFFFFFD0]  }
0xde: {  	v39 =	vld [tilespmem:s14+$0xFFFFFFE0]  }
0xdf: {  	v40 =	vld [tilespmem:s14+$0xFFFFFFF0]  }
0xe0: {  	v41 =	vld [tilespmem:s14+$0x0]  }
0xe1: {  	v42 =	vld [tilespmem:s14+$0x10]  }
0xe2: {  	v45 =	vld [tilespmem:s14+$0x40]  }
0xe3: {  	v46 =	vld [tilespmem:s14+$0x50]  }
0xe4: {  	v8 =	vld.idx.msk [tilespmem:v0+s1+$0x0], $0xffff  }
0xe5: {  	v0 =	vld.idx.msk [tilespmem:v0+s20+$0x0], $0xffff  }
0xe6: {  	v18 =	vld.idx.msk [tilespmem:v1+s1+$0x0], $0xffff  }
0xe7: {  	v19 =	vld.idx.msk [tilespmem:v2+s1+$0x0], $0xffff  }
0xe8: {  	v20 =	vld.idx.msk [tilespmem:v3+s1+$0x0], $0xffff  }
0xe9: {  	v21 =	vld.idx.msk [tilespmem:v4+s1+$0x0], $0xffff  }
0xea: {  	v22 =	vld.idx.msk [tilespmem:v5+s1+$0x0], $0xffff  }
0xeb: {  	v23 =	vld.idx.msk [tilespmem:v6+s1+$0x0], $0xffff  }
0xec: {  	v24 =	vld.idx.msk [tilespmem:v7+s1+$0x0], $0xffff  }
0xed: {  	v25 =	vld.idx.msk [tilespmem:v17+s1+$0x0], $0xffff  }
0xee: {  	v26 =	vld.idx.msk [tilespmem:v10+s1+$0x0], $0xffff  }
0xef: {  	v27 =	vld.idx.msk [tilespmem:v11+s1+$0x0], $0xffff  }
0xf0: {  	v28 =	vld.idx.msk [tilespmem:v12+s1+$0x0], $0xffff  }
0xf1: {  	v29 =	vld.idx.msk [tilespmem:v13+s1+$0x0], $0xffff  }
0xf2: {  	v30 =	vld.idx.msk [tilespmem:v14+s1+$0x0], $0xffff  }
0xf3: {  	v31 =	vld.idx.msk [tilespmem:v15+s1+$0x0], $0xffff  }
0xf4: {  	v32 =	vld.idx.msk [tilespmem:v16+s1+$0x0], $0xffff  }
0xf5: {  	v17 =	vld.idx.msk [tilespmem:v17+s20+$0x0], $0xffff  }
0xf6: {  	v1 =	vld.idx.msk [tilespmem:v1+s20+$0x0], $0xffff  }
0xf7: {  	v2 =	vld.idx.msk [tilespmem:v2+s20+$0x0], $0xffff  }
0xf8: {  	v3 =	vld.idx.msk [tilespmem:v3+s20+$0x0], $0xffff  }
0xf9: {  	v4 =	vld.idx.msk [tilespmem:v4+s20+$0x0], $0xffff  }
0xfa: {  	v5 =	vld.idx.msk [tilespmem:v5+s20+$0x0], $0xffff  }
0xfb: {  	v58 =	vld.idx.msk [tilespmem:v6+s20+$0x0], $0xffff  }
0xfc: {  	v61 =	vld.idx.msk [tilespmem:v7+s20+$0x0], $0xffff;
	v8 =	vmul.f32 v8, v9  }
0xfd: {  	v63 =	vld.idx.msk [tilespmem:v10+s20+$0x0], $0xffff;
	v9 =	vmul.f32 v18, v34  }
0xfe: {  	v6 =	vld.idx.msk [tilespmem:v11+s20+$0x0], $0xffff;
	v55 =	vmul.f32 v20, v36;
	v0 =	vadd.f32 v0, v8  }
0xff: {  	s15 =	simm.s32 $0x14180;
	v7 =	vld.idx.msk [tilespmem:v12+s20+$0x0], $0xffff;
	v56 =	vmul.f32 v21, v37;
	v1 =	vadd.f32 v1, v9  }
0x100: {  	v43 =	vld [tilespmem:s14+$0x20];
	v57 =	vmul.f32 v22, v38;
	v59 =	vmul.f32 v23, v39;
	v3 =	vadd.f32 v3, v55;
	[tilespmem:s15+$0x70] =	vst v0  }
0x101: {  	v44 =	vld [tilespmem:s14+$0x30];
	v60 =	vmul.f32 v24, v40;
	v8 =	vmul.f32 v25, v33;
	v9 =	vadd.f32 v4, v56;
	[tilespmem:s15+$0xFFFFFF90] =	vst v1  }
0x102: {  	v47 =	vld [tilespmem:s14+$0x60];
	v62 =	vmul.f32 v26, v41;
	v10 =	vadd.f32 v5, v57;
	v4 =	vmul.f32 v30, v45;
	[tilespmem:s15+$0xFFFFFFB0] =	vst v3  }
0x103: {  	v11 =	vadd.f32 v58, v59;
	v0 =	vmul.f32 v19, v35;
	v8 =	vadd.f32 v17, v8;
	[tilespmem:s15+$0xFFFFFFC0] =	vst v9  }
0x104: {  	v5 =	vmul.f32 v31, v46;
	v12 =	vadd.f32 v63, v62;
	v9 =	vld.idx.msk [tilespmem:v14+s20+$0x0], $0xffff;
	[tilespmem:s15+$0xFFFFFFD0] =	vst v10  }
0x105: {  	v1 =	vmul.f32 v28, v43;
	[tilespmem:s15+$0xFFFFFF80] =	vst v8;
	v2 =	vadd.f32 v2, v0;
	v8 =	vld.idx.msk [tilespmem:v13+s20+$0x0], $0xffff  }
0x106: {  	v10 =	vld.idx.msk [tilespmem:v15+s20+$0x0], $0xffff;
	[tilespmem:s15+$0xFFFFFFE0] =	vst v11;
	v0 =	vmul.f32 v27, v42;
	v13 =	vadd.f32 v61, v60  }
0x107: {  	s16 =	simm.s32 $0x0;
	s17 =	simm.s32 $0xC280;
	v3 =	vmul.f32 v32, v47;
	v11 =	vld.idx.msk [tilespmem:v16+s20+$0x0], $0xffff;
	[tilespmem:s15+$0xFFFFFFA0] =	vst v2;
	v2 =	vmul.f32 v29, v44  }
.LBB2_4:
0x108: {  	v14 =	vld [tilespmem:s17+$0x70];
	s16 =	sadd.s32 $0x100, s16;
	[tilespmem:s15+$0xFFFFFFF0] =	vst v13;
	v0 =	vadd.f32 v6, v0  }
0x109: {  	v1 =	vadd.f32 v7, v1;
	v6 =	vld [tilespmem:s17+$0xFFFFFF90];
	p0 =	slt.u32 s16, $0x3F00;
	[tilespmem:s15+$0x0] =	vst v12  }
0x10a: {  	v7 =	vld [tilespmem:s17+$0xFFFFFFA0];
	[tilespmem:s15+$0x10] =	vst v0;
	v0 =	vadd.f32 v8, v2  }
0x10b: {  	v8 =	vld [tilespmem:s17+$0xFFFFFFB0];
	[tilespmem:s15+$0x20] =	vst v1;
	v1 =	vadd.f32 v9, v4  }
0x10c: {  	v9 =	vld [tilespmem:s17+$0xFFFFFFC0];
	[tilespmem:s15+$0x30] =	vst v0;
	v0 =	vadd.f32 v10, v5  }
0x10d: {  	v10 =	vld [tilespmem:s17+$0xFFFFFFD0];
	[tilespmem:s15+$0x40] =	vst v1;
	v1 =	vadd.f32 v11, v3  }
0x10e: {  	v11 =	vld [tilespmem:s17+$0xFFFFFFE0];
	[tilespmem:s15+$0x50] =	vst v0  }
0x10f: {  	v12 =	vld [tilespmem:s17+$0xFFFFFFF0];
	[tilespmem:s15+$0x60] =	vst v1  }
0x110: {  	s14 =	sadd.s32 $0x100, s14;
	v0 =	vld.idx.msk [tilespmem:v14+s1+$0x0], $0xffff  }
0x111: {  	v1 =	vld [tilespmem:s14+$0x70]  }
0x112: {  	v2 =	vld.idx.msk [tilespmem:v14+s20+$0x0], $0xffff  }
0x113: {  	v13 =	vld [tilespmem:s17+$0x0]  }
0x114: {  	v14 =	vld [tilespmem:s17+$0x10]  }
0x115: {  	v15 =	vld [tilespmem:s17+$0x20]  }
0x116: {  	v16 =	vld [tilespmem:s17+$0x30];
	v0 =	vmul.f32 v0, v1  }
0x117: {  	v17 =	vld [tilespmem:s17+$0x40]  }
0x118: {  	v18 =	vld [tilespmem:s17+$0x50];
	v0 =	vadd.f32 v2, v0  }
0x119: {  	s15 =	sadd.s32 $0x100, s15;
	v19 =	vld [tilespmem:s17+$0x60]  }
0x11a: {  	v1 =	vld [tilespmem:s17+$0xFFFFFF80];
	[tilespmem:s15+$0x70] =	vst v0  }
0x11b: {  	v0 =	vld.idx.msk [tilespmem:v6+s1+$0x0], $0xffff  }
0x11c: {  	v2 =	vld.idx.msk [tilespmem:v7+s1+$0x0], $0xffff  }
0x11d: {  	v3 =	vld.idx.msk [tilespmem:v8+s1+$0x0], $0xffff  }
0x11e: {  	v4 =	vld.idx.msk [tilespmem:v9+s1+$0x0], $0xffff  }
0x11f: {  	v5 =	vld.idx.msk [tilespmem:v10+s1+$0x0], $0xffff  }
0x120: {  	v20 =	vld.idx.msk [tilespmem:v11+s1+$0x0], $0xffff  }
0x121: {  	v21 =	vld.idx.msk [tilespmem:v12+s1+$0x0], $0xffff  }
0x122: {  	v22 =	vld.idx.msk [tilespmem:v1+s1+$0x0], $0xffff  }
0x123: {  	v23 =	vld.idx.msk [tilespmem:v13+s1+$0x0], $0xffff  }
0x124: {  	v24 =	vld.idx.msk [tilespmem:v14+s1+$0x0], $0xffff  }
0x125: {  	v25 =	vld.idx.msk [tilespmem:v15+s1+$0x0], $0xffff  }
0x126: {  	v26 =	vld.idx.msk [tilespmem:v16+s1+$0x0], $0xffff  }
0x127: {  	v27 =	vld.idx.msk [tilespmem:v17+s1+$0x0], $0xffff  }
0x128: {  	v28 =	vld.idx.msk [tilespmem:v18+s1+$0x0], $0xffff  }
0x129: {  	v29 =	vld.idx.msk [tilespmem:v19+s1+$0x0], $0xffff  }
0x12a: {  	v30 =	vld [tilespmem:s14+$0xFFFFFF80]  }
0x12b: {  	v31 =	vld [tilespmem:s14+$0xFFFFFF90]  }
0x12c: {  	v32 =	vld [tilespmem:s14+$0xFFFFFFA0]  }
0x12d: {  	v33 =	vld [tilespmem:s14+$0xFFFFFFB0]  }
0x12e: {  	v34 =	vld [tilespmem:s14+$0xFFFFFFC0]  }
0x12f: {  	v22 =	vmul.f32 v22, v30;
	v30 =	vld [tilespmem:s14+$0xFFFFFFD0]  }
0x130: {  	v31 =	vmul.f32 v0, v31;
	v0 =	vld [tilespmem:s14+$0xFFFFFFE0]  }
0x131: {  	v32 =	vmul.f32 v2, v32;
	v2 =	vld [tilespmem:s14+$0xFFFFFFF0]  }
0x132: {  	v33 =	vmul.f32 v3, v33;
	v3 =	vld [tilespmem:s14+$0x0]  }
0x133: {  	v34 =	vmul.f32 v4, v34;
	v4 =	vld [tilespmem:s14+$0x10]  }
0x134: {  	v30 =	vmul.f32 v5, v30;
	v5 =	vld [tilespmem:s14+$0x20]  }
0x135: {  	v20 =	vmul.f32 v20, v0;
	v35 =	vld [tilespmem:s14+$0x30]  }
0x136: {  	v21 =	vmul.f32 v21, v2;
	v36 =	vld [tilespmem:s14+$0x40]  }
0x137: {  	v23 =	vmul.f32 v23, v3;
	v3 =	vld [tilespmem:s14+$0x50]  }
0x138: {  	v0 =	vmul.f32 v24, v4;
	v24 =	vld [tilespmem:s14+$0x60]  }
0x139: {  	v37 =	vld.idx.msk [tilespmem:v1+s20+$0x0], $0xffff;
	v1 =	vmul.f32 v25, v5  }
0x13a: {  	v6 =	vld.idx.msk [tilespmem:v6+s20+$0x0], $0xffff;
	v2 =	vmul.f32 v26, v35  }
0x13b: {  	v7 =	vld.idx.msk [tilespmem:v7+s20+$0x0], $0xffff;
	v4 =	vmul.f32 v27, v36  }
0x13c: {  	v8 =	vld.idx.msk [tilespmem:v8+s20+$0x0], $0xffff;
	v5 =	vmul.f32 v28, v3  }
0x13d: {  	v9 =	vld.idx.msk [tilespmem:v9+s20+$0x0], $0xffff;
	v3 =	vmul.f32 v29, v24  }
0x13e: {  	v10 =	vld.idx.msk [tilespmem:v10+s20+$0x0], $0xffff  }
0x13f: {  	v22 =	vadd.f32 v37, v22;
	v11 =	vld.idx.msk [tilespmem:v11+s20+$0x0], $0xffff  }
0x140: {  	v6 =	vadd.f32 v6, v31;
	v12 =	vld.idx.msk [tilespmem:v12+s20+$0x0], $0xffff  }
0x141: {  	v7 =	vadd.f32 v7, v32;
	[tilespmem:s15+$0xFFFFFF80] =	vst v22;
	v22 =	vld.idx.msk [tilespmem:v13+s20+$0x0], $0xffff  }
0x142: {  	v8 =	vadd.f32 v8, v33;
	[tilespmem:s15+$0xFFFFFF90] =	vst v6;
	v6 =	vld.idx.msk [tilespmem:v14+s20+$0x0], $0xffff  }
.Ltmp1:
0x143: {  	v9 =	vadd.f32 v9, v34;
	[tilespmem:s15+$0xFFFFFFA0] =	vst v7;
	v7 =	vld.idx.msk [tilespmem:v15+s20+$0x0], $0xffff;
	(pc) =	sbr.rel @p0 .LBB2_4-.Ltmp1, $4  }
0x144: {  	v10 =	vadd.f32 v10, v30;
	[tilespmem:s15+$0xFFFFFFB0] =	vst v8;
	v8 =	vld.idx.msk [tilespmem:v16+s20+$0x0], $0xffff  }
0x145: {  	v11 =	vadd.f32 v11, v20;
	[tilespmem:s15+$0xFFFFFFC0] =	vst v9;
	v9 =	vld.idx.msk [tilespmem:v17+s20+$0x0], $0xffff  }
0x146: {  	v13 =	vadd.f32 v12, v21;
	[tilespmem:s15+$0xFFFFFFD0] =	vst v10;
	v10 =	vld.idx.msk [tilespmem:v18+s20+$0x0], $0xffff  }
0x147: {  	s17 =	sadd.s32 $0x100, s17;
	v12 =	vadd.f32 v22, v23;
	[tilespmem:s15+$0xFFFFFFE0] =	vst v11;
	v11 =	vld.idx.msk [tilespmem:v19+s20+$0x0], $0xffff  }
0x148: {  	[tilespmem:s15+$0xFFFFFFF0] =	vst v13;
	v0 =	vadd.f32 v6, v0  }
0x149: {  	v1 =	vadd.f32 v7, v1;
	[tilespmem:s15+$0x0] =	vst v12  }
0x14a: {  	[tilespmem:s15+$0x10] =	vst v0;
	v0 =	vadd.f32 v8, v2  }
0x14b: {  	[tilespmem:s15+$0x20] =	vst v1;
	v1 =	vadd.f32 v9, v4  }
0x14c: {  	[tilespmem:s15+$0x30] =	vst v0;
	v0 =	vadd.f32 v10, v5  }
0x14d: {  	[tilespmem:s15+$0x40] =	vst v1;
	v1 =	vadd.f32 v11, v3  }
0x14e: {  	[tilespmem:s15+$0x50] =	vst v0  }
0x14f: {  	[tilespmem:s15+$0x60] =	vst v1  }
0x150: {  	s14 =	rddreg [dreg:$0xc]  }
0x151: {  	[hbm4b:s14+s1] =	stream.linear.scatter [tilespmem:s10], [sflag:$0x6], $0x4000, $0x38;
	[tilespmem:$0x18100] =	vst v63  }
0x152: {  	s15 =	rddreg [dreg:$0xd]  }
0x153: {  	[tilespmem:s3], [sflag:$0x2] =	stream.linear.gather [hbm4b:s15+s1], $0x4000, $0x38;
	[tilespmem:$0x18100] =	vst v63  }
0x154: {  	s16 =	rddreg [dreg:$0xe]  }
0x155: {  	[tilespmem:s4], [sflag:$0x4] =	stream.linear.gather [hbm4b:s16+s1], $0x4000, $0x38;
	[tilespmem:$0x18100] =	vst v63  }
0x156: {  	_ =	swait.ge [sflag:s5], $0x4000  }
0x157: {  	[sflag:s5] =	ssyncset.done $0x0  }
0x158: {  	[sflag:s5] =	ssyncadd.s32 $0xFFFFC000  }
0x159: {  	_ =	swait.ge [sflag:s6], $0x4000  }
0x15a: {  	[sflag:s6] =	ssyncset.done $0x0  }
0x15b: {  	[sflag:s6] =	ssyncadd.s32 $0xFFFFC000  }
0x15c: {  	_ =	swait.ge [sflag:s11], $0x4000  }
0x15d: {  	[sflag:s11] =	ssyncset.done $0x0  }
0x15e: {  	s17 =	simm.s32 $0x8180;
	[sflag:s11] =	ssyncadd.s32 $0xFFFFC000  }
0x15f: {  	v0 =	vld [tilespmem:s17+$0x70]  }
0x160: {  	v1 =	vld [tilespmem:s17+$0xFFFFFF90]  }
0x161: {  	v2 =	vld [tilespmem:s17+$0xFFFFFFA0]  }
0x162: {  	v3 =	vld [tilespmem:s17+$0xFFFFFFB0]  }
0x163: {  	v4 =	vld [tilespmem:s17+$0xFFFFFFC0]  }
0x164: {  	v5 =	vld [tilespmem:s17+$0xFFFFFFD0]  }
0x165: {  	v6 =	vld [tilespmem:s17+$0xFFFFFFE0]  }
0x166: {  	s14 =	simm.s32 $0x180;
	v7 =	vld [tilespmem:s17+$0xFFFFFFF0]  }
0x167: {  	v9 =	vld [tilespmem:s14+$0x70]  }
0x168: {  	v10 =	vld [tilespmem:s17+$0x0]  }
0x169: {  	v11 =	vld [tilespmem:s17+$0x10]  }
0x16a: {  	v12 =	vld [tilespmem:s17+$0x20]  }
0x16b: {  	v13 =	vld [tilespmem:s17+$0x30]  }
0x16c: {  	v14 =	vld [tilespmem:s17+$0x40]  }
0x16d: {  	v15 =	vld [tilespmem:s17+$0x50]  }
0x16e: {  	v16 =	vld [tilespmem:s17+$0x60]  }
0x16f: {  	v17 =	vld [tilespmem:s17+$0xFFFFFF80]  }
0x170: {  	v33 =	vld [tilespmem:s14+$0xFFFFFF80]  }
0x171: {  	v34 =	vld [tilespmem:s14+$0xFFFFFF90]  }
0x172: {  	v35 =	vld [tilespmem:s14+$0xFFFFFFA0]  }
0x173: {  	v36 =	vld [tilespmem:s14+$0xFFFFFFB0]  }
0x174: {  	v37 =	vld [tilespmem:s14+$0xFFFFFFC0]  }
0x175: {  	v38 =	vld [tilespmem:s14+$0xFFFFFFD0]  }
0x176: {  	v39 =	vld [tilespmem:s14+$0xFFFFFFE0]  }
0x177: {  	v40 =	vld [tilespmem:s14+$0xFFFFFFF0]  }
0x178: {  	v41 =	vld [tilespmem:s14+$0x0]  }
0x179: {  	v42 =	vld [tilespmem:s14+$0x10]  }
0x17a: {  	v45 =	vld [tilespmem:s14+$0x40]  }
0x17b: {  	v46 =	vld [tilespmem:s14+$0x50]  }
0x17c: {  	v8 =	vld.idx.msk [tilespmem:v0+s1+$0x0], $0xffff  }
0x17d: {  	v0 =	vld.idx.msk [tilespmem:v0+s20+$0x0], $0xffff  }
0x17e: {  	v18 =	vld.idx.msk [tilespmem:v1+s1+$0x0], $0xffff  }
0x17f: {  	v19 =	vld.idx.msk [tilespmem:v2+s1+$0x0], $0xffff  }
0x180: {  	v20 =	vld.idx.msk [tilespmem:v3+s1+$0x0], $0xffff  }
0x181: {  	v21 =	vld.idx.msk [tilespmem:v4+s1+$0x0], $0xffff  }
0x182: {  	v22 =	vld.idx.msk [tilespmem:v5+s1+$0x0], $0xffff  }
0x183: {  	v23 =	vld.idx.msk [tilespmem:v6+s1+$0x0], $0xffff  }
0x184: {  	v24 =	vld.idx.msk [tilespmem:v7+s1+$0x0], $0xffff  }
0x185: {  	v25 =	vld.idx.msk [tilespmem:v17+s1+$0x0], $0xffff  }
0x186: {  	v26 =	vld.idx.msk [tilespmem:v10+s1+$0x0], $0xffff  }
0x187: {  	v27 =	vld.idx.msk [tilespmem:v11+s1+$0x0], $0xffff  }
0x188: {  	v28 =	vld.idx.msk [tilespmem:v12+s1+$0x0], $0xffff  }
0x189: {  	v29 =	vld.idx.msk [tilespmem:v13+s1+$0x0], $0xffff  }
0x18a: {  	v30 =	vld.idx.msk [tilespmem:v14+s1+$0x0], $0xffff  }
0x18b: {  	v31 =	vld.idx.msk [tilespmem:v15+s1+$0x0], $0xffff  }
0x18c: {  	v32 =	vld.idx.msk [tilespmem:v16+s1+$0x0], $0xffff  }
0x18d: {  	v17 =	vld.idx.msk [tilespmem:v17+s20+$0x0], $0xffff  }
0x18e: {  	v1 =	vld.idx.msk [tilespmem:v1+s20+$0x0], $0xffff  }
0x18f: {  	v2 =	vld.idx.msk [tilespmem:v2+s20+$0x0], $0xffff  }
0x190: {  	v3 =	vld.idx.msk [tilespmem:v3+s20+$0x0], $0xffff  }
0x191: {  	v4 =	vld.idx.msk [tilespmem:v4+s20+$0x0], $0xffff  }
0x192: {  	v5 =	vld.idx.msk [tilespmem:v5+s20+$0x0], $0xffff  }
0x193: {  	v58 =	vld.idx.msk [tilespmem:v6+s20+$0x0], $0xffff  }
0x194: {  	v61 =	vld.idx.msk [tilespmem:v7+s20+$0x0], $0xffff;
	v8 =	vmul.f32 v8, v9  }
0x195: {  	v63 =	vld.idx.msk [tilespmem:v10+s20+$0x0], $0xffff;
	v9 =	vmul.f32 v18, v34  }
0x196: {  	v6 =	vld.idx.msk [tilespmem:v11+s20+$0x0], $0xffff;
	v55 =	vmul.f32 v20, v36;
	v0 =	vadd.f32 v0, v8  }
0x197: {  	s15 =	simm.s32 $0x10180;
	v7 =	vld.idx.msk [tilespmem:v12+s20+$0x0], $0xffff;
	v56 =	vmul.f32 v21, v37;
	v1 =	vadd.f32 v1, v9  }
0x198: {  	v43 =	vld [tilespmem:s14+$0x20];
	v57 =	vmul.f32 v22, v38;
	v59 =	vmul.f32 v23, v39;
	v3 =	vadd.f32 v3, v55;
	[tilespmem:s15+$0x70] =	vst v0  }
0x199: {  	v44 =	vld [tilespmem:s14+$0x30];
	v60 =	vmul.f32 v24, v40;
	v8 =	vmul.f32 v25, v33;
	v9 =	vadd.f32 v4, v56;
	[tilespmem:s15+$0xFFFFFF90] =	vst v1  }
0x19a: {  	v47 =	vld [tilespmem:s14+$0x60];
	v62 =	vmul.f32 v26, v41;
	v10 =	vadd.f32 v5, v57;
	v4 =	vmul.f32 v30, v45;
	[tilespmem:s15+$0xFFFFFFB0] =	vst v3  }
0x19b: {  	v11 =	vadd.f32 v58, v59;
	v0 =	vmul.f32 v19, v35;
	v8 =	vadd.f32 v17, v8;
	[tilespmem:s15+$0xFFFFFFC0] =	vst v9  }
0x19c: {  	v5 =	vmul.f32 v31, v46;
	v12 =	vadd.f32 v63, v62;
	v9 =	vld.idx.msk [tilespmem:v14+s20+$0x0], $0xffff;
	[tilespmem:s15+$0xFFFFFFD0] =	vst v10  }
0x19d: {  	v1 =	vmul.f32 v28, v43;
	[tilespmem:s15+$0xFFFFFF80] =	vst v8;
	v2 =	vadd.f32 v2, v0;
	v8 =	vld.idx.msk [tilespmem:v13+s20+$0x0], $0xffff  }
0x19e: {  	v10 =	vld.idx.msk [tilespmem:v15+s20+$0x0], $0xffff;
	[tilespmem:s15+$0xFFFFFFE0] =	vst v11;
	v0 =	vmul.f32 v27, v42;
	v13 =	vadd.f32 v61, v60  }
0x19f: {  	s16 =	simm.s32 $0x0;
	s17 =	simm.s32 $0x8280;
	v3 =	vmul.f32 v32, v47;
	v11 =	vld.idx.msk [tilespmem:v16+s20+$0x0], $0xffff;
	[tilespmem:s15+$0xFFFFFFA0] =	vst v2;
	v2 =	vmul.f32 v29, v44  }
.LBB2_6:
0x1a0: {  	v14 =	vld [tilespmem:s17+$0x70];
	s16 =	sadd.s32 $0x100, s16;
	[tilespmem:s15+$0xFFFFFFF0] =	vst v13;
	v0 =	vadd.f32 v6, v0  }
0x1a1: {  	v1 =	vadd.f32 v7, v1;
	v6 =	vld [tilespmem:s17+$0xFFFFFF90];
	p0 =	slt.u32 s16, $0x3F00;
	[tilespmem:s15+$0x0] =	vst v12  }
0x1a2: {  	v7 =	vld [tilespmem:s17+$0xFFFFFFA0];
	[tilespmem:s15+$0x10] =	vst v0;
	v0 =	vadd.f32 v8, v2  }
0x1a3: {  	v8 =	vld [tilespmem:s17+$0xFFFFFFB0];
	[tilespmem:s15+$0x20] =	vst v1;
	v1 =	vadd.f32 v9, v4  }
0x1a4: {  	v9 =	vld [tilespmem:s17+$0xFFFFFFC0];
	[tilespmem:s15+$0x30] =	vst v0;
	v0 =	vadd.f32 v10, v5  }
0x1a5: {  	v10 =	vld [tilespmem:s17+$0xFFFFFFD0];
	[tilespmem:s15+$0x40] =	vst v1;
	v1 =	vadd.f32 v11, v3  }
0x1a6: {  	v11 =	vld [tilespmem:s17+$0xFFFFFFE0];
	[tilespmem:s15+$0x50] =	vst v0  }
0x1a7: {  	v12 =	vld [tilespmem:s17+$0xFFFFFFF0];
	[tilespmem:s15+$0x60] =	vst v1  }
0x1a8: {  	s14 =	sadd.s32 $0x100, s14;
	v0 =	vld.idx.msk [tilespmem:v14+s1+$0x0], $0xffff  }
0x1a9: {  	v1 =	vld [tilespmem:s14+$0x70]  }
0x1aa: {  	v2 =	vld.idx.msk [tilespmem:v14+s20+$0x0], $0xffff  }
0x1ab: {  	v13 =	vld [tilespmem:s17+$0x0]  }
0x1ac: {  	v14 =	vld [tilespmem:s17+$0x10]  }
0x1ad: {  	v15 =	vld [tilespmem:s17+$0x20]  }
0x1ae: {  	v16 =	vld [tilespmem:s17+$0x30];
	v0 =	vmul.f32 v0, v1  }
0x1af: {  	v17 =	vld [tilespmem:s17+$0x40]  }
0x1b0: {  	v18 =	vld [tilespmem:s17+$0x50];
	v0 =	vadd.f32 v2, v0  }
0x1b1: {  	s15 =	sadd.s32 $0x100, s15;
	v19 =	vld [tilespmem:s17+$0x60]  }
0x1b2: {  	v1 =	vld [tilespmem:s17+$0xFFFFFF80];
	[tilespmem:s15+$0x70] =	vst v0  }
0x1b3: {  	v0 =	vld.idx.msk [tilespmem:v6+s1+$0x0], $0xffff  }
0x1b4: {  	v2 =	vld.idx.msk [tilespmem:v7+s1+$0x0], $0xffff  }
0x1b5: {  	v3 =	vld.idx.msk [tilespmem:v8+s1+$0x0], $0xffff  }
0x1b6: {  	v4 =	vld.idx.msk [tilespmem:v9+s1+$0x0], $0xffff  }
0x1b7: {  	v5 =	vld.idx.msk [tilespmem:v10+s1+$0x0], $0xffff  }
0x1b8: {  	v20 =	vld.idx.msk [tilespmem:v11+s1+$0x0], $0xffff  }
0x1b9: {  	v21 =	vld.idx.msk [tilespmem:v12+s1+$0x0], $0xffff  }
0x1ba: {  	v22 =	vld.idx.msk [tilespmem:v1+s1+$0x0], $0xffff  }
0x1bb: {  	v23 =	vld.idx.msk [tilespmem:v13+s1+$0x0], $0xffff  }
0x1bc: {  	v24 =	vld.idx.msk [tilespmem:v14+s1+$0x0], $0xffff  }
0x1bd: {  	v25 =	vld.idx.msk [tilespmem:v15+s1+$0x0], $0xffff  }
0x1be: {  	v26 =	vld.idx.msk [tilespmem:v16+s1+$0x0], $0xffff  }
0x1bf: {  	v27 =	vld.idx.msk [tilespmem:v17+s1+$0x0], $0xffff  }
0x1c0: {  	v28 =	vld.idx.msk [tilespmem:v18+s1+$0x0], $0xffff  }
0x1c1: {  	v29 =	vld.idx.msk [tilespmem:v19+s1+$0x0], $0xffff  }
0x1c2: {  	v30 =	vld [tilespmem:s14+$0xFFFFFF80]  }
0x1c3: {  	v31 =	vld [tilespmem:s14+$0xFFFFFF90]  }
0x1c4: {  	v32 =	vld [tilespmem:s14+$0xFFFFFFA0]  }
0x1c5: {  	v33 =	vld [tilespmem:s14+$0xFFFFFFB0]  }
0x1c6: {  	v34 =	vld [tilespmem:s14+$0xFFFFFFC0]  }
0x1c7: {  	v22 =	vmul.f32 v22, v30;
	v30 =	vld [tilespmem:s14+$0xFFFFFFD0]  }
0x1c8: {  	v31 =	vmul.f32 v0, v31;
	v0 =	vld [tilespmem:s14+$0xFFFFFFE0]  }
0x1c9: {  	v32 =	vmul.f32 v2, v32;
	v2 =	vld [tilespmem:s14+$0xFFFFFFF0]  }
0x1ca: {  	v33 =	vmul.f32 v3, v33;
	v3 =	vld [tilespmem:s14+$0x0]  }
0x1cb: {  	v34 =	vmul.f32 v4, v34;
	v4 =	vld [tilespmem:s14+$0x10]  }
0x1cc: {  	v30 =	vmul.f32 v5, v30;
	v5 =	vld [tilespmem:s14+$0x20]  }
0x1cd: {  	v20 =	vmul.f32 v20, v0;
	v35 =	vld [tilespmem:s14+$0x30]  }
0x1ce: {  	v21 =	vmul.f32 v21, v2;
	v36 =	vld [tilespmem:s14+$0x40]  }
0x1cf: {  	v23 =	vmul.f32 v23, v3;
	v3 =	vld [tilespmem:s14+$0x50]  }
0x1d0: {  	v0 =	vmul.f32 v24, v4;
	v24 =	vld [tilespmem:s14+$0x60]  }
0x1d1: {  	v37 =	vld.idx.msk [tilespmem:v1+s20+$0x0], $0xffff;
	v1 =	vmul.f32 v25, v5  }
0x1d2: {  	v6 =	vld.idx.msk [tilespmem:v6+s20+$0x0], $0xffff;
	v2 =	vmul.f32 v26, v35  }
0x1d3: {  	v7 =	vld.idx.msk [tilespmem:v7+s20+$0x0], $0xffff;
	v4 =	vmul.f32 v27, v36  }
0x1d4: {  	v8 =	vld.idx.msk [tilespmem:v8+s20+$0x0], $0xffff;
	v5 =	vmul.f32 v28, v3  }
0x1d5: {  	v9 =	vld.idx.msk [tilespmem:v9+s20+$0x0], $0xffff;
	v3 =	vmul.f32 v29, v24  }
0x1d6: {  	v10 =	vld.idx.msk [tilespmem:v10+s20+$0x0], $0xffff  }
0x1d7: {  	v22 =	vadd.f32 v37, v22;
	v11 =	vld.idx.msk [tilespmem:v11+s20+$0x0], $0xffff  }
0x1d8: {  	v6 =	vadd.f32 v6, v31;
	v12 =	vld.idx.msk [tilespmem:v12+s20+$0x0], $0xffff  }
0x1d9: {  	v7 =	vadd.f32 v7, v32;
	[tilespmem:s15+$0xFFFFFF80] =	vst v22;
	v22 =	vld.idx.msk [tilespmem:v13+s20+$0x0], $0xffff  }
0x1da: {  	v8 =	vadd.f32 v8, v33;
	[tilespmem:s15+$0xFFFFFF90] =	vst v6;
	v6 =	vld.idx.msk [tilespmem:v14+s20+$0x0], $0xffff  }
.Ltmp2:
0x1db: {  	v9 =	vadd.f32 v9, v34;
	[tilespmem:s15+$0xFFFFFFA0] =	vst v7;
	v7 =	vld.idx.msk [tilespmem:v15+s20+$0x0], $0xffff;
	(pc) =	sbr.rel @p0 .LBB2_6-.Ltmp2, $4  }
0x1dc: {  	v10 =	vadd.f32 v10, v30;
	[tilespmem:s15+$0xFFFFFFB0] =	vst v8;
	v8 =	vld.idx.msk [tilespmem:v16+s20+$0x0], $0xffff  }
0x1dd: {  	v11 =	vadd.f32 v11, v20;
	[tilespmem:s15+$0xFFFFFFC0] =	vst v9;
	v9 =	vld.idx.msk [tilespmem:v17+s20+$0x0], $0xffff  }
0x1de: {  	v13 =	vadd.f32 v12, v21;
	[tilespmem:s15+$0xFFFFFFD0] =	vst v10;
	v10 =	vld.idx.msk [tilespmem:v18+s20+$0x0], $0xffff  }
0x1df: {  	s17 =	sadd.s32 $0x100, s17;
	v12 =	vadd.f32 v22, v23;
	[tilespmem:s15+$0xFFFFFFE0] =	vst v11;
	v11 =	vld.idx.msk [tilespmem:v19+s20+$0x0], $0xffff  }
0x1e0: {  	[tilespmem:s15+$0xFFFFFFF0] =	vst v13;
	v0 =	vadd.f32 v6, v0  }
0x1e1: {  	v1 =	vadd.f32 v7, v1;
	[tilespmem:s15+$0x0] =	vst v12  }
0x1e2: {  	[tilespmem:s15+$0x10] =	vst v0;
	v0 =	vadd.f32 v8, v2  }
0x1e3: {  	[tilespmem:s15+$0x20] =	vst v1;
	v1 =	vadd.f32 v9, v4  }
0x1e4: {  	[tilespmem:s15+$0x30] =	vst v0;
	v0 =	vadd.f32 v10, v5  }
0x1e5: {  	[tilespmem:s15+$0x40] =	vst v1;
	v1 =	vadd.f32 v11, v3  }
0x1e6: {  	[tilespmem:s15+$0x50] =	vst v0  }
0x1e7: {  	[tilespmem:s15+$0x60] =	vst v1  }
0x1e8: {  	s14 =	rddreg [dreg:$0xf]  }
0x1e9: {  	[hbm4b:s14+s1] =	stream.linear.scatter [tilespmem:s7], [sflag:$0x5], $0x4000, $0x38;
	[tilespmem:$0x18100] =	vst v63  }
0x1ea: {  	s15 =	rddreg [dreg:$0x10]  }
0x1eb: {  	[tilespmem:s0], [sflag:$0x1] =	stream.linear.gather [hbm4b:s15+s1], $0x4000, $0x38;
	[tilespmem:$0x18100] =	vst v63  }
0x1ec: {  	s16 =	rddreg [dreg:$0x11]  }
0x1ed: {  	[tilespmem:s2], [sflag:$0x3] =	stream.linear.gather [hbm4b:s16+s1], $0x4000, $0x38;
	[tilespmem:$0x18100] =	vst v63  }
0x1ee: {  	_ =	swait.ge [sflag:s8], $0x4000  }
0x1ef: {  	[sflag:s8] =	ssyncset.done $0x0  }
0x1f0: {  	[sflag:s8] =	ssyncadd.s32 $0xFFFFC000  }
0x1f1: {  	_ =	swait.ge [sflag:s9], $0x4000  }
0x1f2: {  	[sflag:s9] =	ssyncset.done $0x0  }
0x1f3: {  	[sflag:s9] =	ssyncadd.s32 $0xFFFFC000  }
0x1f4: {  	_ =	swait.ge [sflag:s12], $0x4000  }
0x1f5: {  	[sflag:s12] =	ssyncset.done $0x0  }
0x1f6: {  	s17 =	simm.s32 $0xC180;
	[sflag:s12] =	ssyncadd.s32 $0xFFFFC000  }
0x1f7: {  	v0 =	vld [tilespmem:s17+$0x70]  }
0x1f8: {  	v1 =	vld [tilespmem:s17+$0xFFFFFF90]  }
0x1f9: {  	v2 =	vld [tilespmem:s17+$0xFFFFFFA0]  }
0x1fa: {  	v3 =	vld [tilespmem:s17+$0xFFFFFFB0]  }
0x1fb: {  	v4 =	vld [tilespmem:s17+$0xFFFFFFC0]  }
0x1fc: {  	v5 =	vld [tilespmem:s17+$0xFFFFFFD0]  }
0x1fd: {  	v6 =	vld [tilespmem:s17+$0xFFFFFFE0]  }
0x1fe: {  	s14 =	simm.s32 $0x4180;
	v7 =	vld [tilespmem:s17+$0xFFFFFFF0]  }
0x1ff: {  	v9 =	vld [tilespmem:s14+$0x70]  }
0x200: {  	v10 =	vld [tilespmem:s17+$0x0]  }
0x201: {  	v11 =	vld [tilespmem:s17+$0x10]  }
0x202: {  	v12 =	vld [tilespmem:s17+$0x20]  }
0x203: {  	v13 =	vld [tilespmem:s17+$0x30]  }
0x204: {  	v14 =	vld [tilespmem:s17+$0x40]  }
0x205: {  	v15 =	vld [tilespmem:s17+$0x50]  }
0x206: {  	v16 =	vld [tilespmem:s17+$0x60]  }
0x207: {  	v17 =	vld [tilespmem:s17+$0xFFFFFF80]  }
0x208: {  	v33 =	vld [tilespmem:s14+$0xFFFFFF80]  }
0x209: {  	v34 =	vld [tilespmem:s14+$0xFFFFFF90]  }
0x20a: {  	v35 =	vld [tilespmem:s14+$0xFFFFFFA0]  }
0x20b: {  	v36 =	vld [tilespmem:s14+$0xFFFFFFB0]  }
0x20c: {  	v37 =	vld [tilespmem:s14+$0xFFFFFFC0]  }
0x20d: {  	v38 =	vld [tilespmem:s14+$0xFFFFFFD0]  }
0x20e: {  	v39 =	vld [tilespmem:s14+$0xFFFFFFE0]  }
0x20f: {  	v40 =	vld [tilespmem:s14+$0xFFFFFFF0]  }
0x210: {  	v41 =	vld [tilespmem:s14+$0x0]  }
0x211: {  	v42 =	vld [tilespmem:s14+$0x10]  }
0x212: {  	v45 =	vld [tilespmem:s14+$0x40]  }
0x213: {  	v46 =	vld [tilespmem:s14+$0x50]  }
0x214: {  	v8 =	vld.idx.msk [tilespmem:v0+s1+$0x0], $0xffff  }
0x215: {  	v0 =	vld.idx.msk [tilespmem:v0+s20+$0x0], $0xffff  }
0x216: {  	v18 =	vld.idx.msk [tilespmem:v1+s1+$0x0], $0xffff  }
0x217: {  	v19 =	vld.idx.msk [tilespmem:v2+s1+$0x0], $0xffff  }
0x218: {  	v20 =	vld.idx.msk [tilespmem:v3+s1+$0x0], $0xffff  }
0x219: {  	v21 =	vld.idx.msk [tilespmem:v4+s1+$0x0], $0xffff  }
0x21a: {  	v22 =	vld.idx.msk [tilespmem:v5+s1+$0x0], $0xffff  }
0x21b: {  	v23 =	vld.idx.msk [tilespmem:v6+s1+$0x0], $0xffff  }
0x21c: {  	v24 =	vld.idx.msk [tilespmem:v7+s1+$0x0], $0xffff  }
0x21d: {  	v25 =	vld.idx.msk [tilespmem:v17+s1+$0x0], $0xffff  }
0x21e: {  	v26 =	vld.idx.msk [tilespmem:v10+s1+$0x0], $0xffff  }
0x21f: {  	v27 =	vld.idx.msk [tilespmem:v11+s1+$0x0], $0xffff  }
0x220: {  	v28 =	vld.idx.msk [tilespmem:v12+s1+$0x0], $0xffff  }
0x221: {  	v29 =	vld.idx.msk [tilespmem:v13+s1+$0x0], $0xffff  }
0x222: {  	v30 =	vld.idx.msk [tilespmem:v14+s1+$0x0], $0xffff  }
0x223: {  	v31 =	vld.idx.msk [tilespmem:v15+s1+$0x0], $0xffff  }
0x224: {  	v32 =	vld.idx.msk [tilespmem:v16+s1+$0x0], $0xffff  }
0x225: {  	v17 =	vld.idx.msk [tilespmem:v17+s20+$0x0], $0xffff  }
0x226: {  	v1 =	vld.idx.msk [tilespmem:v1+s20+$0x0], $0xffff  }
0x227: {  	v2 =	vld.idx.msk [tilespmem:v2+s20+$0x0], $0xffff  }
0x228: {  	v3 =	vld.idx.msk [tilespmem:v3+s20+$0x0], $0xffff  }
0x229: {  	v4 =	vld.idx.msk [tilespmem:v4+s20+$0x0], $0xffff  }
0x22a: {  	v5 =	vld.idx.msk [tilespmem:v5+s20+$0x0], $0xffff  }
0x22b: {  	v58 =	vld.idx.msk [tilespmem:v6+s20+$0x0], $0xffff  }
0x22c: {  	v61 =	vld.idx.msk [tilespmem:v7+s20+$0x0], $0xffff;
	v8 =	vmul.f32 v8, v9  }
0x22d: {  	v63 =	vld.idx.msk [tilespmem:v10+s20+$0x0], $0xffff;
	v9 =	vmul.f32 v18, v34  }
0x22e: {  	v6 =	vld.idx.msk [tilespmem:v11+s20+$0x0], $0xffff;
	v55 =	vmul.f32 v20, v36;
	v0 =	vadd.f32 v0, v8  }
0x22f: {  	s15 =	simm.s32 $0x14180;
	v7 =	vld.idx.msk [tilespmem:v12+s20+$0x0], $0xffff;
	v56 =	vmul.f32 v21, v37;
	v1 =	vadd.f32 v1, v9  }
0x230: {  	v43 =	vld [tilespmem:s14+$0x20];
	v57 =	vmul.f32 v22, v38;
	v59 =	vmul.f32 v23, v39;
	v3 =	vadd.f32 v3, v55;
	[tilespmem:s15+$0x70] =	vst v0  }
0x231: {  	v44 =	vld [tilespmem:s14+$0x30];
	v60 =	vmul.f32 v24, v40;
	v8 =	vmul.f32 v25, v33;
	v9 =	vadd.f32 v4, v56;
	[tilespmem:s15+$0xFFFFFF90] =	vst v1  }
0x232: {  	v47 =	vld [tilespmem:s14+$0x60];
	v62 =	vmul.f32 v26, v41;
	v10 =	vadd.f32 v5, v57;
	v4 =	vmul.f32 v30, v45;
	[tilespmem:s15+$0xFFFFFFB0] =	vst v3  }
0x233: {  	v11 =	vadd.f32 v58, v59;
	v0 =	vmul.f32 v19, v35;
	v8 =	vadd.f32 v17, v8;
	[tilespmem:s15+$0xFFFFFFC0] =	vst v9  }
0x234: {  	v5 =	vmul.f32 v31, v46;
	v12 =	vadd.f32 v63, v62;
	v9 =	vld.idx.msk [tilespmem:v14+s20+$0x0], $0xffff;
	[tilespmem:s15+$0xFFFFFFD0] =	vst v10  }
0x235: {  	v1 =	vmul.f32 v28, v43;
	[tilespmem:s15+$0xFFFFFF80] =	vst v8;
	v2 =	vadd.f32 v2, v0;
	v8 =	vld.idx.msk [tilespmem:v13+s20+$0x0], $0xffff  }
0x236: {  	v10 =	vld.idx.msk [tilespmem:v15+s20+$0x0], $0xffff;
	[tilespmem:s15+$0xFFFFFFE0] =	vst v11;
	v0 =	vmul.f32 v27, v42;
	v13 =	vadd.f32 v61, v60  }
0x237: {  	s16 =	simm.s32 $0x0;
	s17 =	simm.s32 $0xC280;
	v3 =	vmul.f32 v32, v47;
	v11 =	vld.idx.msk [tilespmem:v16+s20+$0x0], $0xffff;
	[tilespmem:s15+$0xFFFFFFA0] =	vst v2;
	v2 =	vmul.f32 v29, v44  }
.LBB2_8:
0x238: {  	v14 =	vld [tilespmem:s17+$0x70];
	s16 =	sadd.s32 $0x100, s16;
	[tilespmem:s15+$0xFFFFFFF0] =	vst v13;
	v0 =	vadd.f32 v6, v0  }
0x239: {  	v1 =	vadd.f32 v7, v1;
	v6 =	vld [tilespmem:s17+$0xFFFFFF90];
	p0 =	slt.u32 s16, $0x3F00;
	[tilespmem:s15+$0x0] =	vst v12  }
0x23a: {  	v7 =	vld [tilespmem:s17+$0xFFFFFFA0];
	[tilespmem:s15+$0x10] =	vst v0;
	v0 =	vadd.f32 v8, v2  }
0x23b: {  	v8 =	vld [tilespmem:s17+$0xFFFFFFB0];
	[tilespmem:s15+$0x20] =	vst v1;
	v1 =	vadd.f32 v9, v4  }
0x23c: {  	v9 =	vld [tilespmem:s17+$0xFFFFFFC0];
	[tilespmem:s15+$0x30] =	vst v0;
	v0 =	vadd.f32 v10, v5  }
0x23d: {  	v10 =	vld [tilespmem:s17+$0xFFFFFFD0];
	[tilespmem:s15+$0x40] =	vst v1;
	v1 =	vadd.f32 v11, v3  }
0x23e: {  	v11 =	vld [tilespmem:s17+$0xFFFFFFE0];
	[tilespmem:s15+$0x50] =	vst v0  }
0x23f: {  	v12 =	vld [tilespmem:s17+$0xFFFFFFF0];
	[tilespmem:s15+$0x60] =	vst v1  }
0x240: {  	s14 =	sadd.s32 $0x100, s14;
	v0 =	vld.idx.msk [tilespmem:v14+s1+$0x0], $0xffff  }
0x241: {  	v1 =	vld [tilespmem:s14+$0x70]  }
0x242: {  	v2 =	vld.idx.msk [tilespmem:v14+s20+$0x0], $0xffff  }
0x243: {  	v13 =	vld [tilespmem:s17+$0x0]  }
0x244: {  	v14 =	vld [tilespmem:s17+$0x10]  }
0x245: {  	v15 =	vld [tilespmem:s17+$0x20]  }
0x246: {  	v16 =	vld [tilespmem:s17+$0x30];
	v0 =	vmul.f32 v0, v1  }
0x247: {  	v17 =	vld [tilespmem:s17+$0x40]  }
0x248: {  	v18 =	vld [tilespmem:s17+$0x50];
	v0 =	vadd.f32 v2, v0  }
0x249: {  	s15 =	sadd.s32 $0x100, s15;
	v19 =	vld [tilespmem:s17+$0x60]  }
0x24a: {  	v1 =	vld [tilespmem:s17+$0xFFFFFF80];
	[tilespmem:s15+$0x70] =	vst v0  }
0x24b: {  	v0 =	vld.idx.msk [tilespmem:v6+s1+$0x0], $0xffff  }
0x24c: {  	v2 =	vld.idx.msk [tilespmem:v7+s1+$0x0], $0xffff  }
0x24d: {  	v3 =	vld.idx.msk [tilespmem:v8+s1+$0x0], $0xffff  }
0x24e: {  	v4 =	vld.idx.msk [tilespmem:v9+s1+$0x0], $0xffff  }
0x24f: {  	v5 =	vld.idx.msk [tilespmem:v10+s1+$0x0], $0xffff  }
0x250: {  	v20 =	vld.idx.msk [tilespmem:v11+s1+$0x0], $0xffff  }
0x251: {  	v21 =	vld.idx.msk [tilespmem:v12+s1+$0x0], $0xffff  }
0x252: {  	v22 =	vld.idx.msk [tilespmem:v1+s1+$0x0], $0xffff  }
0x253: {  	v23 =	vld.idx.msk [tilespmem:v13+s1+$0x0], $0xffff  }
0x254: {  	v24 =	vld.idx.msk [tilespmem:v14+s1+$0x0], $0xffff  }
0x255: {  	v25 =	vld.idx.msk [tilespmem:v15+s1+$0x0], $0xffff  }
0x256: {  	v26 =	vld.idx.msk [tilespmem:v16+s1+$0x0], $0xffff  }
0x257: {  	v27 =	vld.idx.msk [tilespmem:v17+s1+$0x0], $0xffff  }
0x258: {  	v28 =	vld.idx.msk [tilespmem:v18+s1+$0x0], $0xffff  }
0x259: {  	v29 =	vld.idx.msk [tilespmem:v19+s1+$0x0], $0xffff  }
0x25a: {  	v30 =	vld [tilespmem:s14+$0xFFFFFF80]  }
0x25b: {  	v31 =	vld [tilespmem:s14+$0xFFFFFF90]  }
0x25c: {  	v32 =	vld [tilespmem:s14+$0xFFFFFFA0]  }
0x25d: {  	v33 =	vld [tilespmem:s14+$0xFFFFFFB0]  }
0x25e: {  	v34 =	vld [tilespmem:s14+$0xFFFFFFC0]  }
0x25f: {  	v22 =	vmul.f32 v22, v30;
	v30 =	vld [tilespmem:s14+$0xFFFFFFD0]  }
0x260: {  	v31 =	vmul.f32 v0, v31;
	v0 =	vld [tilespmem:s14+$0xFFFFFFE0]  }
0x261: {  	v32 =	vmul.f32 v2, v32;
	v2 =	vld [tilespmem:s14+$0xFFFFFFF0]  }
0x262: {  	v33 =	vmul.f32 v3, v33;
	v3 =	vld [tilespmem:s14+$0x0]  }
0x263: {  	v34 =	vmul.f32 v4, v34;
	v4 =	vld [tilespmem:s14+$0x10]  }
0x264: {  	v30 =	vmul.f32 v5, v30;
	v5 =	vld [tilespmem:s14+$0x20]  }
0x265: {  	v20 =	vmul.f32 v20, v0;
	v35 =	vld [tilespmem:s14+$0x30]  }
0x266: {  	v21 =	vmul.f32 v21, v2;
	v36 =	vld [tilespmem:s14+$0x40]  }
0x267: {  	v23 =	vmul.f32 v23, v3;
	v3 =	vld [tilespmem:s14+$0x50]  }
0x268: {  	v0 =	vmul.f32 v24, v4;
	v24 =	vld [tilespmem:s14+$0x60]  }
0x269: {  	v37 =	vld.idx.msk [tilespmem:v1+s20+$0x0], $0xffff;
	v1 =	vmul.f32 v25, v5  }
0x26a: {  	v6 =	vld.idx.msk [tilespmem:v6+s20+$0x0], $0xffff;
	v2 =	vmul.f32 v26, v35  }
0x26b: {  	v7 =	vld.idx.msk [tilespmem:v7+s20+$0x0], $0xffff;
	v4 =	vmul.f32 v27, v36  }
0x26c: {  	v8 =	vld.idx.msk [tilespmem:v8+s20+$0x0], $0xffff;
	v5 =	vmul.f32 v28, v3  }
0x26d: {  	v9 =	vld.idx.msk [tilespmem:v9+s20+$0x0], $0xffff;
	v3 =	vmul.f32 v29, v24  }
0x26e: {  	v10 =	vld.idx.msk [tilespmem:v10+s20+$0x0], $0xffff  }
0x26f: {  	v22 =	vadd.f32 v37, v22;
	v11 =	vld.idx.msk [tilespmem:v11+s20+$0x0], $0xffff  }
0x270: {  	v6 =	vadd.f32 v6, v31;
	v12 =	vld.idx.msk [tilespmem:v12+s20+$0x0], $0xffff  }
0x271: {  	v7 =	vadd.f32 v7, v32;
	[tilespmem:s15+$0xFFFFFF80] =	vst v22;
	v22 =	vld.idx.msk [tilespmem:v13+s20+$0x0], $0xffff  }
0x272: {  	v8 =	vadd.f32 v8, v33;
	[tilespmem:s15+$0xFFFFFF90] =	vst v6;
	v6 =	vld.idx.msk [tilespmem:v14+s20+$0x0], $0xffff  }
.Ltmp3:
0x273: {  	v9 =	vadd.f32 v9, v34;
	[tilespmem:s15+$0xFFFFFFA0] =	vst v7;
	v7 =	vld.idx.msk [tilespmem:v15+s20+$0x0], $0xffff;
	(pc) =	sbr.rel @p0 .LBB2_8-.Ltmp3, $4  }
0x274: {  	v10 =	vadd.f32 v10, v30;
	[tilespmem:s15+$0xFFFFFFB0] =	vst v8;
	v8 =	vld.idx.msk [tilespmem:v16+s20+$0x0], $0xffff  }
0x275: {  	v11 =	vadd.f32 v11, v20;
	[tilespmem:s15+$0xFFFFFFC0] =	vst v9;
	v9 =	vld.idx.msk [tilespmem:v17+s20+$0x0], $0xffff  }
0x276: {  	v13 =	vadd.f32 v12, v21;
	[tilespmem:s15+$0xFFFFFFD0] =	vst v10;
	v10 =	vld.idx.msk [tilespmem:v18+s20+$0x0], $0xffff  }
0x277: {  	s17 =	sadd.s32 $0x100, s17;
	v12 =	vadd.f32 v22, v23;
	[tilespmem:s15+$0xFFFFFFE0] =	vst v11;
	v11 =	vld.idx.msk [tilespmem:v19+s20+$0x0], $0xffff  }
0x278: {  	[tilespmem:s15+$0xFFFFFFF0] =	vst v13;
	v0 =	vadd.f32 v6, v0  }
0x279: {  	v1 =	vadd.f32 v7, v1;
	[tilespmem:s15+$0x0] =	vst v12  }
0x27a: {  	[tilespmem:s15+$0x10] =	vst v0;
	v0 =	vadd.f32 v8, v2  }
0x27b: {  	[tilespmem:s15+$0x20] =	vst v1;
	v1 =	vadd.f32 v9, v4  }
0x27c: {  	[tilespmem:s15+$0x30] =	vst v0;
	v0 =	vadd.f32 v10, v5  }
0x27d: {  	[tilespmem:s15+$0x40] =	vst v1;
	v1 =	vadd.f32 v11, v3  }
0x27e: {  	[tilespmem:s15+$0x50] =	vst v0  }
0x27f: {  	[tilespmem:s15+$0x60] =	vst v1  }
0x280: {  	s14 =	rddreg [dreg:$0x12]  }
0x281: {  	[hbm4b:s14+s1] =	stream.linear.scatter [tilespmem:s10], [sflag:$0x6], $0x4000, $0x38;
	[tilespmem:$0x18100] =	vst v63  }
0x282: {  	s15 =	rddreg [dreg:$0x13]  }
0x283: {  	[tilespmem:s3], [sflag:$0x2] =	stream.linear.gather [hbm4b:s15+s1], $0x4000, $0x38;
	[tilespmem:$0x18100] =	vst v63  }
0x284: {  	s16 =	rddreg [dreg:$0x14]  }
0x285: {  	[tilespmem:s4], [sflag:$0x4] =	stream.linear.gather [hbm4b:s16+s1], $0x4000, $0x38;
	[tilespmem:$0x18100] =	vst v63  }
0x286: {  	_ =	swait.ge [sflag:s5], $0x4000  }
0x287: {  	[sflag:s5] =	ssyncset.done $0x0  }
0x288: {  	[sflag:s5] =	ssyncadd.s32 $0xFFFFC000  }
0x289: {  	_ =	swait.ge [sflag:s6], $0x4000  }
0x28a: {  	[sflag:s6] =	ssyncset.done $0x0  }
0x28b: {  	[sflag:s6] =	ssyncadd.s32 $0xFFFFC000  }
0x28c: {  	_ =	swait.ge [sflag:s11], $0x4000  }
0x28d: {  	[sflag:s11] =	ssyncset.done $0x0  }
0x28e: {  	s17 =	simm.s32 $0x8180;
	[sflag:s11] =	ssyncadd.s32 $0xFFFFC000  }
0x28f: {  	v0 =	vld [tilespmem:s17+$0x70]  }
0x290: {  	v1 =	vld [tilespmem:s17+$0xFFFFFF90]  }
0x291: {  	v2 =	vld [tilespmem:s17+$0xFFFFFFA0]  }
0x292: {  	v3 =	vld [tilespmem:s17+$0xFFFFFFB0]  }
0x293: {  	v4 =	vld [tilespmem:s17+$0xFFFFFFC0]  }
0x294: {  	v5 =	vld [tilespmem:s17+$0xFFFFFFD0]  }
0x295: {  	v6 =	vld [tilespmem:s17+$0xFFFFFFE0]  }
0x296: {  	s14 =	simm.s32 $0x180;
	v7 =	vld [tilespmem:s17+$0xFFFFFFF0]  }
0x297: {  	v9 =	vld [tilespmem:s14+$0x70]  }
0x298: {  	v10 =	vld [tilespmem:s17+$0x0]  }
0x299: {  	v11 =	vld [tilespmem:s17+$0x10]  }
0x29a: {  	v12 =	vld [tilespmem:s17+$0x20]  }
0x29b: {  	v13 =	vld [tilespmem:s17+$0x30]  }
0x29c: {  	v14 =	vld [tilespmem:s17+$0x40]  }
0x29d: {  	v15 =	vld [tilespmem:s17+$0x50]  }
0x29e: {  	v16 =	vld [tilespmem:s17+$0x60]  }
0x29f: {  	v17 =	vld [tilespmem:s17+$0xFFFFFF80]  }
0x2a0: {  	v33 =	vld [tilespmem:s14+$0xFFFFFF80]  }
0x2a1: {  	v34 =	vld [tilespmem:s14+$0xFFFFFF90]  }
0x2a2: {  	v35 =	vld [tilespmem:s14+$0xFFFFFFA0]  }
0x2a3: {  	v36 =	vld [tilespmem:s14+$0xFFFFFFB0]  }
0x2a4: {  	v37 =	vld [tilespmem:s14+$0xFFFFFFC0]  }
0x2a5: {  	v38 =	vld [tilespmem:s14+$0xFFFFFFD0]  }
0x2a6: {  	v39 =	vld [tilespmem:s14+$0xFFFFFFE0]  }
0x2a7: {  	v40 =	vld [tilespmem:s14+$0xFFFFFFF0]  }
0x2a8: {  	v41 =	vld [tilespmem:s14+$0x0]  }
0x2a9: {  	v42 =	vld [tilespmem:s14+$0x10]  }
0x2aa: {  	v45 =	vld [tilespmem:s14+$0x40]  }
0x2ab: {  	v46 =	vld [tilespmem:s14+$0x50]  }
0x2ac: {  	v8 =	vld.idx.msk [tilespmem:v0+s1+$0x0], $0xffff  }
0x2ad: {  	v0 =	vld.idx.msk [tilespmem:v0+s20+$0x0], $0xffff  }
0x2ae: {  	v18 =	vld.idx.msk [tilespmem:v1+s1+$0x0], $0xffff  }
0x2af: {  	v19 =	vld.idx.msk [tilespmem:v2+s1+$0x0], $0xffff  }
0x2b0: {  	v20 =	vld.idx.msk [tilespmem:v3+s1+$0x0], $0xffff  }
0x2b1: {  	v21 =	vld.idx.msk [tilespmem:v4+s1+$0x0], $0xffff  }
0x2b2: {  	v22 =	vld.idx.msk [tilespmem:v5+s1+$0x0], $0xffff  }
0x2b3: {  	v23 =	vld.idx.msk [tilespmem:v6+s1+$0x0], $0xffff  }
0x2b4: {  	v24 =	vld.idx.msk [tilespmem:v7+s1+$0x0], $0xffff  }
0x2b5: {  	v25 =	vld.idx.msk [tilespmem:v17+s1+$0x0], $0xffff  }
0x2b6: {  	v26 =	vld.idx.msk [tilespmem:v10+s1+$0x0], $0xffff  }
0x2b7: {  	v27 =	vld.idx.msk [tilespmem:v11+s1+$0x0], $0xffff  }
0x2b8: {  	v28 =	vld.idx.msk [tilespmem:v12+s1+$0x0], $0xffff  }
0x2b9: {  	v29 =	vld.idx.msk [tilespmem:v13+s1+$0x0], $0xffff  }
0x2ba: {  	v30 =	vld.idx.msk [tilespmem:v14+s1+$0x0], $0xffff  }
0x2bb: {  	v31 =	vld.idx.msk [tilespmem:v15+s1+$0x0], $0xffff  }
0x2bc: {  	v32 =	vld.idx.msk [tilespmem:v16+s1+$0x0], $0xffff  }
0x2bd: {  	v17 =	vld.idx.msk [tilespmem:v17+s20+$0x0], $0xffff  }
0x2be: {  	v1 =	vld.idx.msk [tilespmem:v1+s20+$0x0], $0xffff  }
0x2bf: {  	v2 =	vld.idx.msk [tilespmem:v2+s20+$0x0], $0xffff  }
0x2c0: {  	v3 =	vld.idx.msk [tilespmem:v3+s20+$0x0], $0xffff  }
0x2c1: {  	v4 =	vld.idx.msk [tilespmem:v4+s20+$0x0], $0xffff  }
0x2c2: {  	v5 =	vld.idx.msk [tilespmem:v5+s20+$0x0], $0xffff  }
0x2c3: {  	v58 =	vld.idx.msk [tilespmem:v6+s20+$0x0], $0xffff  }
0x2c4: {  	v61 =	vld.idx.msk [tilespmem:v7+s20+$0x0], $0xffff;
	v8 =	vmul.f32 v8, v9  }
0x2c5: {  	v63 =	vld.idx.msk [tilespmem:v10+s20+$0x0], $0xffff;
	v9 =	vmul.f32 v18, v34  }
0x2c6: {  	v6 =	vld.idx.msk [tilespmem:v11+s20+$0x0], $0xffff;
	v55 =	vmul.f32 v20, v36;
	v0 =	vadd.f32 v0, v8  }
0x2c7: {  	s15 =	simm.s32 $0x10180;
	v7 =	vld.idx.msk [tilespmem:v12+s20+$0x0], $0xffff;
	v56 =	vmul.f32 v21, v37;
	v1 =	vadd.f32 v1, v9  }
0x2c8: {  	v43 =	vld [tilespmem:s14+$0x20];
	v57 =	vmul.f32 v22, v38;
	v59 =	vmul.f32 v23, v39;
	v3 =	vadd.f32 v3, v55;
	[tilespmem:s15+$0x70] =	vst v0  }
0x2c9: {  	v44 =	vld [tilespmem:s14+$0x30];
	v60 =	vmul.f32 v24, v40;
	v8 =	vmul.f32 v25, v33;
	v9 =	vadd.f32 v4, v56;
	[tilespmem:s15+$0xFFFFFF90] =	vst v1  }
0x2ca: {  	v47 =	vld [tilespmem:s14+$0x60];
	v62 =	vmul.f32 v26, v41;
	v10 =	vadd.f32 v5, v57;
	v4 =	vmul.f32 v30, v45;
	[tilespmem:s15+$0xFFFFFFB0] =	vst v3  }
0x2cb: {  	v11 =	vadd.f32 v58, v59;
	v0 =	vmul.f32 v19, v35;
	v8 =	vadd.f32 v17, v8;
	[tilespmem:s15+$0xFFFFFFC0] =	vst v9  }
0x2cc: {  	v5 =	vmul.f32 v31, v46;
	v12 =	vadd.f32 v63, v62;
	v9 =	vld.idx.msk [tilespmem:v14+s20+$0x0], $0xffff;
	[tilespmem:s15+$0xFFFFFFD0] =	vst v10  }
0x2cd: {  	v1 =	vmul.f32 v28, v43;
	[tilespmem:s15+$0xFFFFFF80] =	vst v8;
	v2 =	vadd.f32 v2, v0;
	v8 =	vld.idx.msk [tilespmem:v13+s20+$0x0], $0xffff  }
0x2ce: {  	v10 =	vld.idx.msk [tilespmem:v15+s20+$0x0], $0xffff;
	[tilespmem:s15+$0xFFFFFFE0] =	vst v11;
	v0 =	vmul.f32 v27, v42;
	v13 =	vadd.f32 v61, v60  }
0x2cf: {  	s16 =	simm.s32 $0x0;
	s17 =	simm.s32 $0x8280;
	v3 =	vmul.f32 v32, v47;
	v11 =	vld.idx.msk [tilespmem:v16+s20+$0x0], $0xffff;
	[tilespmem:s15+$0xFFFFFFA0] =	vst v2;
	v2 =	vmul.f32 v29, v44  }
.LBB2_10:
0x2d0: {  	v14 =	vld [tilespmem:s17+$0x70];
	s16 =	sadd.s32 $0x100, s16;
	[tilespmem:s15+$0xFFFFFFF0] =	vst v13;
	v0 =	vadd.f32 v6, v0  }
0x2d1: {  	v1 =	vadd.f32 v7, v1;
	v6 =	vld [tilespmem:s17+$0xFFFFFF90];
	p0 =	slt.u32 s16, $0x3F00;
	[tilespmem:s15+$0x0] =	vst v12  }
0x2d2: {  	v7 =	vld [tilespmem:s17+$0xFFFFFFA0];
	[tilespmem:s15+$0x10] =	vst v0;
	v0 =	vadd.f32 v8, v2  }
0x2d3: {  	v8 =	vld [tilespmem:s17+$0xFFFFFFB0];
	[tilespmem:s15+$0x20] =	vst v1;
	v1 =	vadd.f32 v9, v4  }
0x2d4: {  	v9 =	vld [tilespmem:s17+$0xFFFFFFC0];
	[tilespmem:s15+$0x30] =	vst v0;
	v0 =	vadd.f32 v10, v5  }
0x2d5: {  	v10 =	vld [tilespmem:s17+$0xFFFFFFD0];
	[tilespmem:s15+$0x40] =	vst v1;
	v1 =	vadd.f32 v11, v3  }
0x2d6: {  	v11 =	vld [tilespmem:s17+$0xFFFFFFE0];
	[tilespmem:s15+$0x50] =	vst v0  }
0x2d7: {  	v12 =	vld [tilespmem:s17+$0xFFFFFFF0];
	[tilespmem:s15+$0x60] =	vst v1  }
0x2d8: {  	s14 =	sadd.s32 $0x100, s14;
	v0 =	vld.idx.msk [tilespmem:v14+s1+$0x0], $0xffff  }
0x2d9: {  	v1 =	vld [tilespmem:s14+$0x70]  }
0x2da: {  	v2 =	vld.idx.msk [tilespmem:v14+s20+$0x0], $0xffff  }
0x2db: {  	v13 =	vld [tilespmem:s17+$0x0]  }
0x2dc: {  	v14 =	vld [tilespmem:s17+$0x10]  }
0x2dd: {  	v15 =	vld [tilespmem:s17+$0x20]  }
0x2de: {  	v16 =	vld [tilespmem:s17+$0x30];
	v0 =	vmul.f32 v0, v1  }
0x2df: {  	v17 =	vld [tilespmem:s17+$0x40]  }
0x2e0: {  	v18 =	vld [tilespmem:s17+$0x50];
	v0 =	vadd.f32 v2, v0  }
0x2e1: {  	s15 =	sadd.s32 $0x100, s15;
	v19 =	vld [tilespmem:s17+$0x60]  }
0x2e2: {  	v1 =	vld [tilespmem:s17+$0xFFFFFF80];
	[tilespmem:s15+$0x70] =	vst v0  }
0x2e3: {  	v0 =	vld.idx.msk [tilespmem:v6+s1+$0x0], $0xffff  }
0x2e4: {  	v2 =	vld.idx.msk [tilespmem:v7+s1+$0x0], $0xffff  }
0x2e5: {  	v3 =	vld.idx.msk [tilespmem:v8+s1+$0x0], $0xffff  }
0x2e6: {  	v4 =	vld.idx.msk [tilespmem:v9+s1+$0x0], $0xffff  }
0x2e7: {  	v5 =	vld.idx.msk [tilespmem:v10+s1+$0x0], $0xffff  }
0x2e8: {  	v20 =	vld.idx.msk [tilespmem:v11+s1+$0x0], $0xffff  }
0x2e9: {  	v21 =	vld.idx.msk [tilespmem:v12+s1+$0x0], $0xffff  }
0x2ea: {  	v22 =	vld.idx.msk [tilespmem:v1+s1+$0x0], $0xffff  }
0x2eb: {  	v23 =	vld.idx.msk [tilespmem:v13+s1+$0x0], $0xffff  }
0x2ec: {  	v24 =	vld.idx.msk [tilespmem:v14+s1+$0x0], $0xffff  }
0x2ed: {  	v25 =	vld.idx.msk [tilespmem:v15+s1+$0x0], $0xffff  }
0x2ee: {  	v26 =	vld.idx.msk [tilespmem:v16+s1+$0x0], $0xffff  }
0x2ef: {  	v27 =	vld.idx.msk [tilespmem:v17+s1+$0x0], $0xffff  }
0x2f0: {  	v28 =	vld.idx.msk [tilespmem:v18+s1+$0x0], $0xffff  }
0x2f1: {  	v29 =	vld.idx.msk [tilespmem:v19+s1+$0x0], $0xffff  }
0x2f2: {  	v30 =	vld [tilespmem:s14+$0xFFFFFF80]  }
0x2f3: {  	v31 =	vld [tilespmem:s14+$0xFFFFFF90]  }
0x2f4: {  	v32 =	vld [tilespmem:s14+$0xFFFFFFA0]  }
0x2f5: {  	v33 =	vld [tilespmem:s14+$0xFFFFFFB0]  }
0x2f6: {  	v34 =	vld [tilespmem:s14+$0xFFFFFFC0]  }
0x2f7: {  	v22 =	vmul.f32 v22, v30;
	v30 =	vld [tilespmem:s14+$0xFFFFFFD0]  }
0x2f8: {  	v31 =	vmul.f32 v0, v31;
	v0 =	vld [tilespmem:s14+$0xFFFFFFE0]  }
0x2f9: {  	v32 =	vmul.f32 v2, v32;
	v2 =	vld [tilespmem:s14+$0xFFFFFFF0]  }
0x2fa: {  	v33 =	vmul.f32 v3, v33;
	v3 =	vld [tilespmem:s14+$0x0]  }
0x2fb: {  	v34 =	vmul.f32 v4, v34;
	v4 =	vld [tilespmem:s14+$0x10]  }
0x2fc: {  	v30 =	vmul.f32 v5, v30;
	v5 =	vld [tilespmem:s14+$0x20]  }
0x2fd: {  	v20 =	vmul.f32 v20, v0;
	v35 =	vld [tilespmem:s14+$0x30]  }
0x2fe: {  	v21 =	vmul.f32 v21, v2;
	v36 =	vld [tilespmem:s14+$0x40]  }
0x2ff: {  	v23 =	vmul.f32 v23, v3;
	v3 =	vld [tilespmem:s14+$0x50]  }
0x300: {  	v0 =	vmul.f32 v24, v4;
	v24 =	vld [tilespmem:s14+$0x60]  }
0x301: {  	v37 =	vld.idx.msk [tilespmem:v1+s20+$0x0], $0xffff;
	v1 =	vmul.f32 v25, v5  }
0x302: {  	v6 =	vld.idx.msk [tilespmem:v6+s20+$0x0], $0xffff;
	v2 =	vmul.f32 v26, v35  }
0x303: {  	v7 =	vld.idx.msk [tilespmem:v7+s20+$0x0], $0xffff;
	v4 =	vmul.f32 v27, v36  }
0x304: {  	v8 =	vld.idx.msk [tilespmem:v8+s20+$0x0], $0xffff;
	v5 =	vmul.f32 v28, v3  }
0x305: {  	v9 =	vld.idx.msk [tilespmem:v9+s20+$0x0], $0xffff;
	v3 =	vmul.f32 v29, v24  }
0x306: {  	v10 =	vld.idx.msk [tilespmem:v10+s20+$0x0], $0xffff  }
0x307: {  	v22 =	vadd.f32 v37, v22;
	v11 =	vld.idx.msk [tilespmem:v11+s20+$0x0], $0xffff  }
0x308: {  	v6 =	vadd.f32 v6, v31;
	v12 =	vld.idx.msk [tilespmem:v12+s20+$0x0], $0xffff  }
0x309: {  	v7 =	vadd.f32 v7, v32;
	[tilespmem:s15+$0xFFFFFF80] =	vst v22;
	v22 =	vld.idx.msk [tilespmem:v13+s20+$0x0], $0xffff  }
0x30a: {  	v8 =	vadd.f32 v8, v33;
	[tilespmem:s15+$0xFFFFFF90] =	vst v6;
	v6 =	vld.idx.msk [tilespmem:v14+s20+$0x0], $0xffff  }
.Ltmp4:
0x30b: {  	v9 =	vadd.f32 v9, v34;
	[tilespmem:s15+$0xFFFFFFA0] =	vst v7;
	v7 =	vld.idx.msk [tilespmem:v15+s20+$0x0], $0xffff;
	(pc) =	sbr.rel @p0 .LBB2_10-.Ltmp4, $4  }
0x30c: {  	v10 =	vadd.f32 v10, v30;
	[tilespmem:s15+$0xFFFFFFB0] =	vst v8;
	v8 =	vld.idx.msk [tilespmem:v16+s20+$0x0], $0xffff  }
0x30d: {  	v11 =	vadd.f32 v11, v20;
	[tilespmem:s15+$0xFFFFFFC0] =	vst v9;
	v9 =	vld.idx.msk [tilespmem:v17+s20+$0x0], $0xffff  }
0x30e: {  	v13 =	vadd.f32 v12, v21;
	[tilespmem:s15+$0xFFFFFFD0] =	vst v10;
	v10 =	vld.idx.msk [tilespmem:v18+s20+$0x0], $0xffff  }
0x30f: {  	s17 =	sadd.s32 $0x100, s17;
	v12 =	vadd.f32 v22, v23;
	[tilespmem:s15+$0xFFFFFFE0] =	vst v11;
	v11 =	vld.idx.msk [tilespmem:v19+s20+$0x0], $0xffff  }
0x310: {  	[tilespmem:s15+$0xFFFFFFF0] =	vst v13;
	v0 =	vadd.f32 v6, v0  }
0x311: {  	v1 =	vadd.f32 v7, v1;
	[tilespmem:s15+$0x0] =	vst v12  }
0x312: {  	[tilespmem:s15+$0x10] =	vst v0;
	v0 =	vadd.f32 v8, v2  }
0x313: {  	[tilespmem:s15+$0x20] =	vst v1;
	v1 =	vadd.f32 v9, v4  }
0x314: {  	[tilespmem:s15+$0x30] =	vst v0;
	v0 =	vadd.f32 v10, v5  }
0x315: {  	[tilespmem:s15+$0x40] =	vst v1;
	v1 =	vadd.f32 v11, v3  }
0x316: {  	[tilespmem:s15+$0x50] =	vst v0  }
0x317: {  	[tilespmem:s15+$0x60] =	vst v1  }
0x318: {  	[hbm4b:s18+s1] =	stream.linear.scatter [tilespmem:s7], [sflag:$0x5], $0x4000, $0x38;
	[tilespmem:$0x18100] =	vst v63  }
0x319: {  	_ = 	snop  }
0x31a: {  	[tilespmem:s0], [sflag:$0x1] =	stream.linear.gather [hbm4b:s21+s1], $0x4000, $0x38;
	[tilespmem:$0x18100] =	vst v63  }
0x31b: {  	_ = 	snop  }
0x31c: {  	[tilespmem:s2], [sflag:$0x3] =	stream.linear.gather [hbm4b:s23+s1], $0x4000, $0x38;
	[tilespmem:$0x18100] =	vst v63  }
0x31d: {  	_ =	swait.ge [sflag:s8], $0x4000  }
0x31e: {  	[sflag:s8] =	ssyncset.done $0x0  }
0x31f: {  	[sflag:s8] =	ssyncadd.s32 $0xFFFFC000  }
0x320: {  	_ =	swait.ge [sflag:s9], $0x4000  }
0x321: {  	[sflag:s9] =	ssyncset.done $0x0  }
0x322: {  	[sflag:s9] =	ssyncadd.s32 $0xFFFFC000  }
0x323: {  	_ =	swait.ge [sflag:s12], $0x4000  }
0x324: {  	[sflag:s12] =	ssyncset.done $0x0  }
0x325: {  	s17 =	simm.s32 $0xC180;
	[sflag:s12] =	ssyncadd.s32 $0xFFFFC000  }
0x326: {  	v0 =	vld [tilespmem:s17+$0x70]  }
0x327: {  	v1 =	vld [tilespmem:s17+$0xFFFFFF90]  }
0x328: {  	v2 =	vld [tilespmem:s17+$0xFFFFFFA0]  }
0x329: {  	v3 =	vld [tilespmem:s17+$0xFFFFFFB0]  }
0x32a: {  	v4 =	vld [tilespmem:s17+$0xFFFFFFC0]  }
0x32b: {  	v5 =	vld [tilespmem:s17+$0xFFFFFFD0]  }
0x32c: {  	v6 =	vld [tilespmem:s17+$0xFFFFFFE0]  }
0x32d: {  	s14 =	simm.s32 $0x4180;
	v7 =	vld [tilespmem:s17+$0xFFFFFFF0]  }
0x32e: {  	v9 =	vld [tilespmem:s14+$0x70]  }
0x32f: {  	v10 =	vld [tilespmem:s17+$0x0]  }
0x330: {  	v11 =	vld [tilespmem:s17+$0x10]  }
0x331: {  	v12 =	vld [tilespmem:s17+$0x20]  }
0x332: {  	v13 =	vld [tilespmem:s17+$0x30]  }
0x333: {  	v14 =	vld [tilespmem:s17+$0x40]  }
0x334: {  	v15 =	vld [tilespmem:s17+$0x50]  }
0x335: {  	v16 =	vld [tilespmem:s17+$0x60]  }
0x336: {  	v17 =	vld [tilespmem:s17+$0xFFFFFF80]  }
0x337: {  	v33 =	vld [tilespmem:s14+$0xFFFFFF80]  }
0x338: {  	v34 =	vld [tilespmem:s14+$0xFFFFFF90]  }
0x339: {  	v35 =	vld [tilespmem:s14+$0xFFFFFFA0]  }
0x33a: {  	v36 =	vld [tilespmem:s14+$0xFFFFFFB0]  }
0x33b: {  	v37 =	vld [tilespmem:s14+$0xFFFFFFC0]  }
0x33c: {  	v38 =	vld [tilespmem:s14+$0xFFFFFFD0]  }
0x33d: {  	v39 =	vld [tilespmem:s14+$0xFFFFFFE0]  }
0x33e: {  	v40 =	vld [tilespmem:s14+$0xFFFFFFF0]  }
0x33f: {  	v41 =	vld [tilespmem:s14+$0x0]  }
0x340: {  	v42 =	vld [tilespmem:s14+$0x10]  }
0x341: {  	v45 =	vld [tilespmem:s14+$0x40]  }
0x342: {  	v46 =	vld [tilespmem:s14+$0x50]  }
0x343: {  	v8 =	vld.idx.msk [tilespmem:v0+s1+$0x0], $0xffff  }
0x344: {  	v0 =	vld.idx.msk [tilespmem:v0+s20+$0x0], $0xffff  }
0x345: {  	v18 =	vld.idx.msk [tilespmem:v1+s1+$0x0], $0xffff  }
0x346: {  	v19 =	vld.idx.msk [tilespmem:v2+s1+$0x0], $0xffff  }
0x347: {  	v20 =	vld.idx.msk [tilespmem:v3+s1+$0x0], $0xffff  }
0x348: {  	v21 =	vld.idx.msk [tilespmem:v4+s1+$0x0], $0xffff  }
0x349: {  	v22 =	vld.idx.msk [tilespmem:v5+s1+$0x0], $0xffff  }
0x34a: {  	v23 =	vld.idx.msk [tilespmem:v6+s1+$0x0], $0xffff  }
0x34b: {  	v24 =	vld.idx.msk [tilespmem:v7+s1+$0x0], $0xffff  }
0x34c: {  	v25 =	vld.idx.msk [tilespmem:v17+s1+$0x0], $0xffff  }
0x34d: {  	v26 =	vld.idx.msk [tilespmem:v10+s1+$0x0], $0xffff  }
0x34e: {  	v27 =	vld.idx.msk [tilespmem:v11+s1+$0x0], $0xffff  }
0x34f: {  	v28 =	vld.idx.msk [tilespmem:v12+s1+$0x0], $0xffff  }
0x350: {  	v29 =	vld.idx.msk [tilespmem:v13+s1+$0x0], $0xffff  }
0x351: {  	v30 =	vld.idx.msk [tilespmem:v14+s1+$0x0], $0xffff  }
0x352: {  	v31 =	vld.idx.msk [tilespmem:v15+s1+$0x0], $0xffff  }
0x353: {  	v32 =	vld.idx.msk [tilespmem:v16+s1+$0x0], $0xffff  }
0x354: {  	v17 =	vld.idx.msk [tilespmem:v17+s20+$0x0], $0xffff  }
0x355: {  	v1 =	vld.idx.msk [tilespmem:v1+s20+$0x0], $0xffff  }
0x356: {  	v2 =	vld.idx.msk [tilespmem:v2+s20+$0x0], $0xffff  }
0x357: {  	v3 =	vld.idx.msk [tilespmem:v3+s20+$0x0], $0xffff  }
0x358: {  	v4 =	vld.idx.msk [tilespmem:v4+s20+$0x0], $0xffff  }
0x359: {  	v5 =	vld.idx.msk [tilespmem:v5+s20+$0x0], $0xffff  }
0x35a: {  	v58 =	vld.idx.msk [tilespmem:v6+s20+$0x0], $0xffff  }
0x35b: {  	v61 =	vld.idx.msk [tilespmem:v7+s20+$0x0], $0xffff;
	v8 =	vmul.f32 v8, v9  }
0x35c: {  	v63 =	vld.idx.msk [tilespmem:v10+s20+$0x0], $0xffff;
	v9 =	vmul.f32 v18, v34  }
0x35d: {  	v6 =	vld.idx.msk [tilespmem:v11+s20+$0x0], $0xffff;
	v55 =	vmul.f32 v20, v36;
	v0 =	vadd.f32 v0, v8  }
0x35e: {  	s15 =	simm.s32 $0x14180;
	v7 =	vld.idx.msk [tilespmem:v12+s20+$0x0], $0xffff;
	v56 =	vmul.f32 v21, v37;
	v1 =	vadd.f32 v1, v9  }
0x35f: {  	v43 =	vld [tilespmem:s14+$0x20];
	v57 =	vmul.f32 v22, v38;
	v59 =	vmul.f32 v23, v39;
	v3 =	vadd.f32 v3, v55;
	[tilespmem:s15+$0x70] =	vst v0  }
0x360: {  	v44 =	vld [tilespmem:s14+$0x30];
	v60 =	vmul.f32 v24, v40;
	v8 =	vmul.f32 v25, v33;
	v9 =	vadd.f32 v4, v56;
	[tilespmem:s15+$0xFFFFFF90] =	vst v1  }
0x361: {  	v47 =	vld [tilespmem:s14+$0x60];
	v62 =	vmul.f32 v26, v41;
	v10 =	vadd.f32 v5, v57;
	v4 =	vmul.f32 v30, v45;
	[tilespmem:s15+$0xFFFFFFB0] =	vst v3  }
0x362: {  	v11 =	vadd.f32 v58, v59;
	v0 =	vmul.f32 v19, v35;
	v8 =	vadd.f32 v17, v8;
	[tilespmem:s15+$0xFFFFFFC0] =	vst v9  }
0x363: {  	v5 =	vmul.f32 v31, v46;
	v12 =	vadd.f32 v63, v62;
	v9 =	vld.idx.msk [tilespmem:v14+s20+$0x0], $0xffff;
	[tilespmem:s15+$0xFFFFFFD0] =	vst v10  }
0x364: {  	v1 =	vmul.f32 v28, v43;
	[tilespmem:s15+$0xFFFFFF80] =	vst v8;
	v2 =	vadd.f32 v2, v0;
	v8 =	vld.idx.msk [tilespmem:v13+s20+$0x0], $0xffff  }
0x365: {  	v10 =	vld.idx.msk [tilespmem:v15+s20+$0x0], $0xffff;
	[tilespmem:s15+$0xFFFFFFE0] =	vst v11;
	v0 =	vmul.f32 v27, v42;
	v13 =	vadd.f32 v61, v60  }
0x366: {  	s16 =	simm.s32 $0x0;
	s17 =	simm.s32 $0xC280;
	v3 =	vmul.f32 v32, v47;
	v11 =	vld.idx.msk [tilespmem:v16+s20+$0x0], $0xffff;
	[tilespmem:s15+$0xFFFFFFA0] =	vst v2;
	v2 =	vmul.f32 v29, v44  }
.LBB2_12:
0x367: {  	v14 =	vld [tilespmem:s17+$0x70];
	s16 =	sadd.s32 $0x100, s16;
	[tilespmem:s15+$0xFFFFFFF0] =	vst v13;
	v0 =	vadd.f32 v6, v0  }
0x368: {  	v1 =	vadd.f32 v7, v1;
	v6 =	vld [tilespmem:s17+$0xFFFFFF90];
	p0 =	slt.u32 s16, $0x3F00;
	[tilespmem:s15+$0x0] =	vst v12  }
0x369: {  	v7 =	vld [tilespmem:s17+$0xFFFFFFA0];
	[tilespmem:s15+$0x10] =	vst v0;
	v0 =	vadd.f32 v8, v2  }
0x36a: {  	v8 =	vld [tilespmem:s17+$0xFFFFFFB0];
	[tilespmem:s15+$0x20] =	vst v1;
	v1 =	vadd.f32 v9, v4  }
0x36b: {  	v9 =	vld [tilespmem:s17+$0xFFFFFFC0];
	[tilespmem:s15+$0x30] =	vst v0;
	v0 =	vadd.f32 v10, v5  }
0x36c: {  	v10 =	vld [tilespmem:s17+$0xFFFFFFD0];
	[tilespmem:s15+$0x40] =	vst v1;
	v1 =	vadd.f32 v11, v3  }
0x36d: {  	v11 =	vld [tilespmem:s17+$0xFFFFFFE0];
	[tilespmem:s15+$0x50] =	vst v0  }
0x36e: {  	v12 =	vld [tilespmem:s17+$0xFFFFFFF0];
	[tilespmem:s15+$0x60] =	vst v1  }
0x36f: {  	s14 =	sadd.s32 $0x100, s14;
	v0 =	vld.idx.msk [tilespmem:v14+s1+$0x0], $0xffff  }
0x370: {  	v1 =	vld [tilespmem:s14+$0x70]  }
0x371: {  	v2 =	vld.idx.msk [tilespmem:v14+s20+$0x0], $0xffff  }
0x372: {  	v13 =	vld [tilespmem:s17+$0x0]  }
0x373: {  	v14 =	vld [tilespmem:s17+$0x10]  }
0x374: {  	v15 =	vld [tilespmem:s17+$0x20]  }
0x375: {  	v16 =	vld [tilespmem:s17+$0x30];
	v0 =	vmul.f32 v0, v1  }
0x376: {  	v17 =	vld [tilespmem:s17+$0x40]  }
0x377: {  	v18 =	vld [tilespmem:s17+$0x50];
	v0 =	vadd.f32 v2, v0  }
0x378: {  	s15 =	sadd.s32 $0x100, s15;
	v19 =	vld [tilespmem:s17+$0x60]  }
0x379: {  	v1 =	vld [tilespmem:s17+$0xFFFFFF80];
	[tilespmem:s15+$0x70] =	vst v0  }
0x37a: {  	v0 =	vld.idx.msk [tilespmem:v6+s1+$0x0], $0xffff  }
0x37b: {  	v2 =	vld.idx.msk [tilespmem:v7+s1+$0x0], $0xffff  }
0x37c: {  	v3 =	vld.idx.msk [tilespmem:v8+s1+$0x0], $0xffff  }
0x37d: {  	v4 =	vld.idx.msk [tilespmem:v9+s1+$0x0], $0xffff  }
0x37e: {  	v5 =	vld.idx.msk [tilespmem:v10+s1+$0x0], $0xffff  }
0x37f: {  	v20 =	vld.idx.msk [tilespmem:v11+s1+$0x0], $0xffff  }
0x380: {  	v21 =	vld.idx.msk [tilespmem:v12+s1+$0x0], $0xffff  }
0x381: {  	v22 =	vld.idx.msk [tilespmem:v1+s1+$0x0], $0xffff  }
0x382: {  	v23 =	vld.idx.msk [tilespmem:v13+s1+$0x0], $0xffff  }
0x383: {  	v24 =	vld.idx.msk [tilespmem:v14+s1+$0x0], $0xffff  }
0x384: {  	v25 =	vld.idx.msk [tilespmem:v15+s1+$0x0], $0xffff  }
0x385: {  	v26 =	vld.idx.msk [tilespmem:v16+s1+$0x0], $0xffff  }
0x386: {  	v27 =	vld.idx.msk [tilespmem:v17+s1+$0x0], $0xffff  }
0x387: {  	v28 =	vld.idx.msk [tilespmem:v18+s1+$0x0], $0xffff  }
0x388: {  	v29 =	vld.idx.msk [tilespmem:v19+s1+$0x0], $0xffff  }
0x389: {  	v30 =	vld [tilespmem:s14+$0xFFFFFF80]  }
0x38a: {  	v31 =	vld [tilespmem:s14+$0xFFFFFF90]  }
0x38b: {  	v32 =	vld [tilespmem:s14+$0xFFFFFFA0]  }
0x38c: {  	v33 =	vld [tilespmem:s14+$0xFFFFFFB0]  }
0x38d: {  	v34 =	vld [tilespmem:s14+$0xFFFFFFC0]  }
0x38e: {  	v22 =	vmul.f32 v22, v30;
	v30 =	vld [tilespmem:s14+$0xFFFFFFD0]  }
0x38f: {  	v31 =	vmul.f32 v0, v31;
	v0 =	vld [tilespmem:s14+$0xFFFFFFE0]  }
0x390: {  	v32 =	vmul.f32 v2, v32;
	v2 =	vld [tilespmem:s14+$0xFFFFFFF0]  }
0x391: {  	v33 =	vmul.f32 v3, v33;
	v3 =	vld [tilespmem:s14+$0x0]  }
0x392: {  	v34 =	vmul.f32 v4, v34;
	v4 =	vld [tilespmem:s14+$0x10]  }
0x393: {  	v30 =	vmul.f32 v5, v30;
	v5 =	vld [tilespmem:s14+$0x20]  }
0x394: {  	v20 =	vmul.f32 v20, v0;
	v35 =	vld [tilespmem:s14+$0x30]  }
0x395: {  	v21 =	vmul.f32 v21, v2;
	v36 =	vld [tilespmem:s14+$0x40]  }
0x396: {  	v23 =	vmul.f32 v23, v3;
	v3 =	vld [tilespmem:s14+$0x50]  }
0x397: {  	v0 =	vmul.f32 v24, v4;
	v24 =	vld [tilespmem:s14+$0x60]  }
0x398: {  	v37 =	vld.idx.msk [tilespmem:v1+s20+$0x0], $0xffff;
	v1 =	vmul.f32 v25, v5  }
0x399: {  	v6 =	vld.idx.msk [tilespmem:v6+s20+$0x0], $0xffff;
	v2 =	vmul.f32 v26, v35  }
0x39a: {  	v7 =	vld.idx.msk [tilespmem:v7+s20+$0x0], $0xffff;
	v4 =	vmul.f32 v27, v36  }
0x39b: {  	v8 =	vld.idx.msk [tilespmem:v8+s20+$0x0], $0xffff;
	v5 =	vmul.f32 v28, v3  }
0x39c: {  	v9 =	vld.idx.msk [tilespmem:v9+s20+$0x0], $0xffff;
	v3 =	vmul.f32 v29, v24  }
0x39d: {  	v10 =	vld.idx.msk [tilespmem:v10+s20+$0x0], $0xffff  }
0x39e: {  	v22 =	vadd.f32 v37, v22;
	v11 =	vld.idx.msk [tilespmem:v11+s20+$0x0], $0xffff  }
0x39f: {  	v6 =	vadd.f32 v6, v31;
	v12 =	vld.idx.msk [tilespmem:v12+s20+$0x0], $0xffff  }
0x3a0: {  	v7 =	vadd.f32 v7, v32;
	[tilespmem:s15+$0xFFFFFF80] =	vst v22;
	v22 =	vld.idx.msk [tilespmem:v13+s20+$0x0], $0xffff  }
0x3a1: {  	v8 =	vadd.f32 v8, v33;
	[tilespmem:s15+$0xFFFFFF90] =	vst v6;
	v6 =	vld.idx.msk [tilespmem:v14+s20+$0x0], $0xffff  }
.Ltmp5:
0x3a2: {  	v9 =	vadd.f32 v9, v34;
	[tilespmem:s15+$0xFFFFFFA0] =	vst v7;
	v7 =	vld.idx.msk [tilespmem:v15+s20+$0x0], $0xffff;
	(pc) =	sbr.rel @p0 .LBB2_12-.Ltmp5, $4  }
0x3a3: {  	v10 =	vadd.f32 v10, v30;
	[tilespmem:s15+$0xFFFFFFB0] =	vst v8;
	v8 =	vld.idx.msk [tilespmem:v16+s20+$0x0], $0xffff  }
0x3a4: {  	v11 =	vadd.f32 v11, v20;
	[tilespmem:s15+$0xFFFFFFC0] =	vst v9;
	v9 =	vld.idx.msk [tilespmem:v17+s20+$0x0], $0xffff  }
0x3a5: {  	v13 =	vadd.f32 v12, v21;
	[tilespmem:s15+$0xFFFFFFD0] =	vst v10;
	v10 =	vld.idx.msk [tilespmem:v18+s20+$0x0], $0xffff  }
0x3a6: {  	s17 =	sadd.s32 $0x100, s17;
	v12 =	vadd.f32 v22, v23;
	[tilespmem:s15+$0xFFFFFFE0] =	vst v11;
	v11 =	vld.idx.msk [tilespmem:v19+s20+$0x0], $0xffff  }
0x3a7: {  	[tilespmem:s15+$0xFFFFFFF0] =	vst v13;
	v0 =	vadd.f32 v6, v0  }
0x3a8: {  	v1 =	vadd.f32 v7, v1;
	[tilespmem:s15+$0x0] =	vst v12  }
0x3a9: {  	[tilespmem:s15+$0x10] =	vst v0;
	v0 =	vadd.f32 v8, v2  }
0x3aa: {  	[tilespmem:s15+$0x20] =	vst v1;
	v1 =	vadd.f32 v9, v4  }
0x3ab: {  	[tilespmem:s15+$0x30] =	vst v0;
	v0 =	vadd.f32 v10, v5  }
0x3ac: {  	[tilespmem:s15+$0x40] =	vst v1;
	v1 =	vadd.f32 v11, v3  }
0x3ad: {  	[tilespmem:s15+$0x50] =	vst v0  }
0x3ae: {  	[tilespmem:s15+$0x60] =	vst v1  }
0x3af: {  	[hbm4b:s19+s1] =	stream.linear.scatter [tilespmem:s10], [sflag:$0x6], $0x4000, $0x38;
	[tilespmem:$0x18100] =	vst v63  }
0x3b0: {  	_ = 	snop  }
0x3b1: {  	[tilespmem:s3], [sflag:$0x2] =	stream.linear.gather [hbm4b:s22+s1], $0x4000, $0x38;
	[tilespmem:$0x18100] =	vst v63  }
0x3b2: {  	_ = 	snop  }
0x3b3: {  	[tilespmem:s4], [sflag:$0x4] =	stream.linear.gather [hbm4b:s24+s1], $0x4000, $0x38;
	[tilespmem:$0x18100] =	vst v63  }
0x3b4: {  	_ =	swait.ge [sflag:s5], $0x4000  }
0x3b5: {  	[sflag:s5] =	ssyncset.done $0x0  }
0x3b6: {  	[sflag:s5] =	ssyncadd.s32 $0xFFFFC000  }
0x3b7: {  	_ =	swait.ge [sflag:s6], $0x4000  }
0x3b8: {  	[sflag:s6] =	ssyncset.done $0x0  }
0x3b9: {  	[sflag:s6] =	ssyncadd.s32 $0xFFFFC000  }
0x3ba: {  	_ =	swait.ge [sflag:s11], $0x4000  }
0x3bb: {  	[sflag:s11] =	ssyncset.done $0x0  }
0x3bc: {  	s17 =	simm.s32 $0x8180;
	[sflag:s11] =	ssyncadd.s32 $0xFFFFC000  }
0x3bd: {  	v0 =	vld [tilespmem:s17+$0x70]  }
0x3be: {  	v1 =	vld [tilespmem:s17+$0xFFFFFF90]  }
0x3bf: {  	v2 =	vld [tilespmem:s17+$0xFFFFFFA0]  }
0x3c0: {  	v3 =	vld [tilespmem:s17+$0xFFFFFFB0]  }
0x3c1: {  	v4 =	vld [tilespmem:s17+$0xFFFFFFC0]  }
0x3c2: {  	v5 =	vld [tilespmem:s17+$0xFFFFFFD0]  }
0x3c3: {  	v6 =	vld [tilespmem:s17+$0xFFFFFFE0]  }
0x3c4: {  	s14 =	simm.s32 $0x180;
	v7 =	vld [tilespmem:s17+$0xFFFFFFF0]  }
0x3c5: {  	v9 =	vld [tilespmem:s14+$0x70]  }
0x3c6: {  	v10 =	vld [tilespmem:s17+$0x0]  }
0x3c7: {  	v11 =	vld [tilespmem:s17+$0x10]  }
0x3c8: {  	v12 =	vld [tilespmem:s17+$0x20]  }
0x3c9: {  	v13 =	vld [tilespmem:s17+$0x30]  }
0x3ca: {  	v14 =	vld [tilespmem:s17+$0x40]  }
0x3cb: {  	v15 =	vld [tilespmem:s17+$0x50]  }
0x3cc: {  	v16 =	vld [tilespmem:s17+$0x60]  }
0x3cd: {  	v17 =	vld [tilespmem:s17+$0xFFFFFF80]  }
0x3ce: {  	v33 =	vld [tilespmem:s14+$0xFFFFFF80]  }
0x3cf: {  	v34 =	vld [tilespmem:s14+$0xFFFFFF90]  }
0x3d0: {  	v35 =	vld [tilespmem:s14+$0xFFFFFFA0]  }
0x3d1: {  	v36 =	vld [tilespmem:s14+$0xFFFFFFB0]  }
0x3d2: {  	v37 =	vld [tilespmem:s14+$0xFFFFFFC0]  }
0x3d3: {  	v38 =	vld [tilespmem:s14+$0xFFFFFFD0]  }
0x3d4: {  	v39 =	vld [tilespmem:s14+$0xFFFFFFE0]  }
0x3d5: {  	v40 =	vld [tilespmem:s14+$0xFFFFFFF0]  }
0x3d6: {  	v41 =	vld [tilespmem:s14+$0x0]  }
0x3d7: {  	v42 =	vld [tilespmem:s14+$0x10]  }
0x3d8: {  	v45 =	vld [tilespmem:s14+$0x40]  }
0x3d9: {  	v46 =	vld [tilespmem:s14+$0x50]  }
0x3da: {  	v8 =	vld.idx.msk [tilespmem:v0+s1+$0x0], $0xffff  }
0x3db: {  	v0 =	vld.idx.msk [tilespmem:v0+s20+$0x0], $0xffff  }
0x3dc: {  	v18 =	vld.idx.msk [tilespmem:v1+s1+$0x0], $0xffff  }
0x3dd: {  	v19 =	vld.idx.msk [tilespmem:v2+s1+$0x0], $0xffff  }
0x3de: {  	v20 =	vld.idx.msk [tilespmem:v3+s1+$0x0], $0xffff  }
0x3df: {  	v21 =	vld.idx.msk [tilespmem:v4+s1+$0x0], $0xffff  }
0x3e0: {  	v22 =	vld.idx.msk [tilespmem:v5+s1+$0x0], $0xffff  }
0x3e1: {  	v23 =	vld.idx.msk [tilespmem:v6+s1+$0x0], $0xffff  }
0x3e2: {  	v24 =	vld.idx.msk [tilespmem:v7+s1+$0x0], $0xffff  }
0x3e3: {  	v25 =	vld.idx.msk [tilespmem:v17+s1+$0x0], $0xffff  }
0x3e4: {  	v26 =	vld.idx.msk [tilespmem:v10+s1+$0x0], $0xffff  }
0x3e5: {  	v27 =	vld.idx.msk [tilespmem:v11+s1+$0x0], $0xffff  }
0x3e6: {  	v28 =	vld.idx.msk [tilespmem:v12+s1+$0x0], $0xffff  }
0x3e7: {  	v29 =	vld.idx.msk [tilespmem:v13+s1+$0x0], $0xffff  }
0x3e8: {  	v30 =	vld.idx.msk [tilespmem:v14+s1+$0x0], $0xffff  }
0x3e9: {  	v31 =	vld.idx.msk [tilespmem:v15+s1+$0x0], $0xffff  }
0x3ea: {  	v32 =	vld.idx.msk [tilespmem:v16+s1+$0x0], $0xffff  }
0x3eb: {  	v17 =	vld.idx.msk [tilespmem:v17+s20+$0x0], $0xffff  }
0x3ec: {  	v1 =	vld.idx.msk [tilespmem:v1+s20+$0x0], $0xffff  }
0x3ed: {  	v2 =	vld.idx.msk [tilespmem:v2+s20+$0x0], $0xffff  }
0x3ee: {  	v3 =	vld.idx.msk [tilespmem:v3+s20+$0x0], $0xffff  }
0x3ef: {  	v4 =	vld.idx.msk [tilespmem:v4+s20+$0x0], $0xffff  }
0x3f0: {  	v5 =	vld.idx.msk [tilespmem:v5+s20+$0x0], $0xffff  }
0x3f1: {  	v58 =	vld.idx.msk [tilespmem:v6+s20+$0x0], $0xffff  }
0x3f2: {  	v61 =	vld.idx.msk [tilespmem:v7+s20+$0x0], $0xffff;
	v8 =	vmul.f32 v8, v9  }
0x3f3: {  	v63 =	vld.idx.msk [tilespmem:v10+s20+$0x0], $0xffff;
	v9 =	vmul.f32 v18, v34  }
0x3f4: {  	v6 =	vld.idx.msk [tilespmem:v11+s20+$0x0], $0xffff;
	v55 =	vmul.f32 v20, v36;
	v0 =	vadd.f32 v0, v8  }
0x3f5: {  	s15 =	simm.s32 $0x10180;
	v7 =	vld.idx.msk [tilespmem:v12+s20+$0x0], $0xffff;
	v56 =	vmul.f32 v21, v37;
	v1 =	vadd.f32 v1, v9  }
0x3f6: {  	v43 =	vld [tilespmem:s14+$0x20];
	v57 =	vmul.f32 v22, v38;
	v59 =	vmul.f32 v23, v39;
	v3 =	vadd.f32 v3, v55;
	[tilespmem:s15+$0x70] =	vst v0  }
0x3f7: {  	v44 =	vld [tilespmem:s14+$0x30];
	v60 =	vmul.f32 v24, v40;
	v8 =	vmul.f32 v25, v33;
	v9 =	vadd.f32 v4, v56;
	[tilespmem:s15+$0xFFFFFF90] =	vst v1  }
0x3f8: {  	v47 =	vld [tilespmem:s14+$0x60];
	v62 =	vmul.f32 v26, v41;
	v10 =	vadd.f32 v5, v57;
	v4 =	vmul.f32 v30, v45;
	[tilespmem:s15+$0xFFFFFFB0] =	vst v3  }
0x3f9: {  	v11 =	vadd.f32 v58, v59;
	v0 =	vmul.f32 v19, v35;
	v8 =	vadd.f32 v17, v8;
	[tilespmem:s15+$0xFFFFFFC0] =	vst v9  }
0x3fa: {  	v5 =	vmul.f32 v31, v46;
	v12 =	vadd.f32 v63, v62;
	v9 =	vld.idx.msk [tilespmem:v14+s20+$0x0], $0xffff;
	[tilespmem:s15+$0xFFFFFFD0] =	vst v10  }
0x3fb: {  	v1 =	vmul.f32 v28, v43;
	[tilespmem:s15+$0xFFFFFF80] =	vst v8;
	v2 =	vadd.f32 v2, v0;
	v8 =	vld.idx.msk [tilespmem:v13+s20+$0x0], $0xffff  }
0x3fc: {  	v10 =	vld.idx.msk [tilespmem:v15+s20+$0x0], $0xffff;
	[tilespmem:s15+$0xFFFFFFE0] =	vst v11;
	v0 =	vmul.f32 v27, v42;
	v13 =	vadd.f32 v61, v60  }
0x3fd: {  	s16 =	simm.s32 $0x0;
	s17 =	simm.s32 $0x8280;
	v3 =	vmul.f32 v32, v47;
	v11 =	vld.idx.msk [tilespmem:v16+s20+$0x0], $0xffff;
	[tilespmem:s15+$0xFFFFFFA0] =	vst v2;
	v2 =	vmul.f32 v29, v44  }
.LBB2_14:
0x3fe: {  	v14 =	vld [tilespmem:s17+$0x70];
	s16 =	sadd.s32 $0x100, s16;
	[tilespmem:s15+$0xFFFFFFF0] =	vst v13;
	v0 =	vadd.f32 v6, v0  }
0x3ff: {  	v1 =	vadd.f32 v7, v1;
	v6 =	vld [tilespmem:s17+$0xFFFFFF90];
	p0 =	slt.u32 s16, $0x3F00;
	[tilespmem:s15+$0x0] =	vst v12  }
0x400: {  	v7 =	vld [tilespmem:s17+$0xFFFFFFA0];
	[tilespmem:s15+$0x10] =	vst v0;
	v0 =	vadd.f32 v8, v2  }
0x401: {  	v8 =	vld [tilespmem:s17+$0xFFFFFFB0];
	[tilespmem:s15+$0x20] =	vst v1;
	v1 =	vadd.f32 v9, v4  }
0x402: {  	v9 =	vld [tilespmem:s17+$0xFFFFFFC0];
	[tilespmem:s15+$0x30] =	vst v0;
	v0 =	vadd.f32 v10, v5  }
0x403: {  	v10 =	vld [tilespmem:s17+$0xFFFFFFD0];
	[tilespmem:s15+$0x40] =	vst v1;
	v1 =	vadd.f32 v11, v3  }
0x404: {  	v11 =	vld [tilespmem:s17+$0xFFFFFFE0];
	[tilespmem:s15+$0x50] =	vst v0  }
0x405: {  	v12 =	vld [tilespmem:s17+$0xFFFFFFF0];
	[tilespmem:s15+$0x60] =	vst v1  }
0x406: {  	s14 =	sadd.s32 $0x100, s14;
	v0 =	vld.idx.msk [tilespmem:v14+s1+$0x0], $0xffff  }
0x407: {  	v1 =	vld [tilespmem:s14+$0x70]  }
0x408: {  	v2 =	vld.idx.msk [tilespmem:v14+s20+$0x0], $0xffff  }
0x409: {  	v13 =	vld [tilespmem:s17+$0x0]  }
0x40a: {  	v14 =	vld [tilespmem:s17+$0x10]  }
0x40b: {  	v15 =	vld [tilespmem:s17+$0x20]  }
0x40c: {  	v16 =	vld [tilespmem:s17+$0x30];
	v0 =	vmul.f32 v0, v1  }
0x40d: {  	v17 =	vld [tilespmem:s17+$0x40]  }
0x40e: {  	v18 =	vld [tilespmem:s17+$0x50];
	v0 =	vadd.f32 v2, v0  }
0x40f: {  	s15 =	sadd.s32 $0x100, s15;
	v19 =	vld [tilespmem:s17+$0x60]  }
0x410: {  	v1 =	vld [tilespmem:s17+$0xFFFFFF80];
	[tilespmem:s15+$0x70] =	vst v0  }
0x411: {  	v0 =	vld.idx.msk [tilespmem:v6+s1+$0x0], $0xffff  }
0x412: {  	v2 =	vld.idx.msk [tilespmem:v7+s1+$0x0], $0xffff  }
0x413: {  	v3 =	vld.idx.msk [tilespmem:v8+s1+$0x0], $0xffff  }
0x414: {  	v4 =	vld.idx.msk [tilespmem:v9+s1+$0x0], $0xffff  }
0x415: {  	v5 =	vld.idx.msk [tilespmem:v10+s1+$0x0], $0xffff  }
0x416: {  	v20 =	vld.idx.msk [tilespmem:v11+s1+$0x0], $0xffff  }
0x417: {  	v21 =	vld.idx.msk [tilespmem:v12+s1+$0x0], $0xffff  }
0x418: {  	v22 =	vld.idx.msk [tilespmem:v1+s1+$0x0], $0xffff  }
0x419: {  	v23 =	vld.idx.msk [tilespmem:v13+s1+$0x0], $0xffff  }
0x41a: {  	v24 =	vld.idx.msk [tilespmem:v14+s1+$0x0], $0xffff  }
0x41b: {  	v25 =	vld.idx.msk [tilespmem:v15+s1+$0x0], $0xffff  }
0x41c: {  	v26 =	vld.idx.msk [tilespmem:v16+s1+$0x0], $0xffff  }
0x41d: {  	v27 =	vld.idx.msk [tilespmem:v17+s1+$0x0], $0xffff  }
0x41e: {  	v28 =	vld.idx.msk [tilespmem:v18+s1+$0x0], $0xffff  }
0x41f: {  	v29 =	vld.idx.msk [tilespmem:v19+s1+$0x0], $0xffff  }
0x420: {  	v30 =	vld [tilespmem:s14+$0xFFFFFF80]  }
0x421: {  	v31 =	vld [tilespmem:s14+$0xFFFFFF90]  }
0x422: {  	v32 =	vld [tilespmem:s14+$0xFFFFFFA0]  }
0x423: {  	v33 =	vld [tilespmem:s14+$0xFFFFFFB0]  }
0x424: {  	v34 =	vld [tilespmem:s14+$0xFFFFFFC0]  }
0x425: {  	v22 =	vmul.f32 v22, v30;
	v30 =	vld [tilespmem:s14+$0xFFFFFFD0]  }
0x426: {  	v31 =	vmul.f32 v0, v31;
	v0 =	vld [tilespmem:s14+$0xFFFFFFE0]  }
0x427: {  	v32 =	vmul.f32 v2, v32;
	v2 =	vld [tilespmem:s14+$0xFFFFFFF0]  }
0x428: {  	v33 =	vmul.f32 v3, v33;
	v3 =	vld [tilespmem:s14+$0x0]  }
0x429: {  	v34 =	vmul.f32 v4, v34;
	v4 =	vld [tilespmem:s14+$0x10]  }
0x42a: {  	v30 =	vmul.f32 v5, v30;
	v5 =	vld [tilespmem:s14+$0x20]  }
0x42b: {  	v20 =	vmul.f32 v20, v0;
	v35 =	vld [tilespmem:s14+$0x30]  }
0x42c: {  	v21 =	vmul.f32 v21, v2;
	v36 =	vld [tilespmem:s14+$0x40]  }
0x42d: {  	v23 =	vmul.f32 v23, v3;
	v3 =	vld [tilespmem:s14+$0x50]  }
0x42e: {  	v0 =	vmul.f32 v24, v4;
	v24 =	vld [tilespmem:s14+$0x60]  }
0x42f: {  	v37 =	vld.idx.msk [tilespmem:v1+s20+$0x0], $0xffff;
	v1 =	vmul.f32 v25, v5  }
0x430: {  	v6 =	vld.idx.msk [tilespmem:v6+s20+$0x0], $0xffff;
	v2 =	vmul.f32 v26, v35  }
0x431: {  	v7 =	vld.idx.msk [tilespmem:v7+s20+$0x0], $0xffff;
	v4 =	vmul.f32 v27, v36  }
0x432: {  	v8 =	vld.idx.msk [tilespmem:v8+s20+$0x0], $0xffff;
	v5 =	vmul.f32 v28, v3  }
0x433: {  	v9 =	vld.idx.msk [tilespmem:v9+s20+$0x0], $0xffff;
	v3 =	vmul.f32 v29, v24  }
0x434: {  	v10 =	vld.idx.msk [tilespmem:v10+s20+$0x0], $0xffff  }
0x435: {  	v22 =	vadd.f32 v37, v22;
	v11 =	vld.idx.msk [tilespmem:v11+s20+$0x0], $0xffff  }
0x436: {  	v6 =	vadd.f32 v6, v31;
	v12 =	vld.idx.msk [tilespmem:v12+s20+$0x0], $0xffff  }
0x437: {  	v7 =	vadd.f32 v7, v32;
	[tilespmem:s15+$0xFFFFFF80] =	vst v22;
	v22 =	vld.idx.msk [tilespmem:v13+s20+$0x0], $0xffff  }
0x438: {  	v8 =	vadd.f32 v8, v33;
	[tilespmem:s15+$0xFFFFFF90] =	vst v6;
	v6 =	vld.idx.msk [tilespmem:v14+s20+$0x0], $0xffff  }
.Ltmp6:
0x439: {  	v9 =	vadd.f32 v9, v34;
	[tilespmem:s15+$0xFFFFFFA0] =	vst v7;
	v7 =	vld.idx.msk [tilespmem:v15+s20+$0x0], $0xffff;
	(pc) =	sbr.rel @p0 .LBB2_14-.Ltmp6, $4  }
0x43a: {  	v10 =	vadd.f32 v10, v30;
	[tilespmem:s15+$0xFFFFFFB0] =	vst v8;
	v8 =	vld.idx.msk [tilespmem:v16+s20+$0x0], $0xffff  }
0x43b: {  	v11 =	vadd.f32 v11, v20;
	[tilespmem:s15+$0xFFFFFFC0] =	vst v9;
	v9 =	vld.idx.msk [tilespmem:v17+s20+$0x0], $0xffff  }
0x43c: {  	v13 =	vadd.f32 v12, v21;
	[tilespmem:s15+$0xFFFFFFD0] =	vst v10;
	v10 =	vld.idx.msk [tilespmem:v18+s20+$0x0], $0xffff  }
0x43d: {  	s17 =	sadd.s32 $0x100, s17;
	v12 =	vadd.f32 v22, v23;
	[tilespmem:s15+$0xFFFFFFE0] =	vst v11;
	v11 =	vld.idx.msk [tilespmem:v19+s20+$0x0], $0xffff  }
0x43e: {  	[tilespmem:s15+$0xFFFFFFF0] =	vst v13;
	v0 =	vadd.f32 v6, v0  }
0x43f: {  	v1 =	vadd.f32 v7, v1;
	[tilespmem:s15+$0x0] =	vst v12  }
0x440: {  	[tilespmem:s15+$0x10] =	vst v0;
	v0 =	vadd.f32 v8, v2  }
0x441: {  	[tilespmem:s15+$0x20] =	vst v1;
	v1 =	vadd.f32 v9, v4  }
0x442: {  	[tilespmem:s15+$0x30] =	vst v0;
	v0 =	vadd.f32 v10, v5  }
0x443: {  	[tilespmem:s15+$0x40] =	vst v1;
	v1 =	vadd.f32 v11, v3  }
0x444: {  	[tilespmem:s15+$0x50] =	vst v0  }
0x445: {  	[tilespmem:s15+$0x60] =	vst v1  }
0x446: {  	[hbm4b:s25+s1] =	stream.linear.scatter [tilespmem:s7], [sflag:$0x5], $0x4000, $0x38;
	[tilespmem:$0x18100] =	vst v63  }
0x447: {  	_ =	swait.ge [sflag:s8], $0x4000  }
0x448: {  	[sflag:s8] =	ssyncset.done $0x0  }
0x449: {  	[sflag:s8] =	ssyncadd.s32 $0xFFFFC000  }
0x44a: {  	_ =	swait.ge [sflag:s9], $0x4000  }
0x44b: {  	[sflag:s9] =	ssyncset.done $0x0  }
0x44c: {  	[sflag:s9] =	ssyncadd.s32 $0xFFFFC000  }
0x44d: {  	_ =	swait.ge [sflag:s12], $0x4000  }
0x44e: {  	[sflag:s12] =	ssyncset.done $0x0  }
0x44f: {  	s17 =	simm.s32 $0xC180;
	[sflag:s12] =	ssyncadd.s32 $0xFFFFC000  }
0x450: {  	v0 =	vld [tilespmem:s17+$0x70]  }
0x451: {  	v1 =	vld [tilespmem:s17+$0xFFFFFF90]  }
0x452: {  	v2 =	vld [tilespmem:s17+$0xFFFFFFA0]  }
0x453: {  	v3 =	vld [tilespmem:s17+$0xFFFFFFB0]  }
0x454: {  	v4 =	vld [tilespmem:s17+$0xFFFFFFC0]  }
0x455: {  	v5 =	vld [tilespmem:s17+$0xFFFFFFD0]  }
0x456: {  	v6 =	vld [tilespmem:s17+$0xFFFFFFE0]  }
0x457: {  	s14 =	simm.s32 $0x4180;
	v7 =	vld [tilespmem:s17+$0xFFFFFFF0]  }
0x458: {  	v9 =	vld [tilespmem:s14+$0x70]  }
0x459: {  	v10 =	vld [tilespmem:s17+$0x0]  }
0x45a: {  	v11 =	vld [tilespmem:s17+$0x10]  }
0x45b: {  	v12 =	vld [tilespmem:s17+$0x20]  }
0x45c: {  	v13 =	vld [tilespmem:s17+$0x30]  }
0x45d: {  	v14 =	vld [tilespmem:s17+$0x40]  }
0x45e: {  	v15 =	vld [tilespmem:s17+$0x50]  }
0x45f: {  	v16 =	vld [tilespmem:s17+$0x60]  }
0x460: {  	v17 =	vld [tilespmem:s17+$0xFFFFFF80]  }
0x461: {  	v33 =	vld [tilespmem:s14+$0xFFFFFF80]  }
0x462: {  	v34 =	vld [tilespmem:s14+$0xFFFFFF90]  }
0x463: {  	v35 =	vld [tilespmem:s14+$0xFFFFFFA0]  }
0x464: {  	v36 =	vld [tilespmem:s14+$0xFFFFFFB0]  }
0x465: {  	v37 =	vld [tilespmem:s14+$0xFFFFFFC0]  }
0x466: {  	v38 =	vld [tilespmem:s14+$0xFFFFFFD0]  }
0x467: {  	v39 =	vld [tilespmem:s14+$0xFFFFFFE0]  }
0x468: {  	v40 =	vld [tilespmem:s14+$0xFFFFFFF0]  }
0x469: {  	v41 =	vld [tilespmem:s14+$0x0]  }
0x46a: {  	v42 =	vld [tilespmem:s14+$0x10]  }
0x46b: {  	v45 =	vld [tilespmem:s14+$0x40]  }
0x46c: {  	v46 =	vld [tilespmem:s14+$0x50]  }
0x46d: {  	v8 =	vld.idx.msk [tilespmem:v0+s1+$0x0], $0xffff  }
0x46e: {  	v0 =	vld.idx.msk [tilespmem:v0+s20+$0x0], $0xffff  }
0x46f: {  	v18 =	vld.idx.msk [tilespmem:v1+s1+$0x0], $0xffff  }
0x470: {  	v19 =	vld.idx.msk [tilespmem:v2+s1+$0x0], $0xffff  }
0x471: {  	v20 =	vld.idx.msk [tilespmem:v3+s1+$0x0], $0xffff  }
0x472: {  	v21 =	vld.idx.msk [tilespmem:v4+s1+$0x0], $0xffff  }
0x473: {  	v22 =	vld.idx.msk [tilespmem:v5+s1+$0x0], $0xffff  }
0x474: {  	v23 =	vld.idx.msk [tilespmem:v6+s1+$0x0], $0xffff  }
0x475: {  	v24 =	vld.idx.msk [tilespmem:v7+s1+$0x0], $0xffff  }
0x476: {  	v25 =	vld.idx.msk [tilespmem:v17+s1+$0x0], $0xffff  }
0x477: {  	v26 =	vld.idx.msk [tilespmem:v10+s1+$0x0], $0xffff  }
0x478: {  	v27 =	vld.idx.msk [tilespmem:v11+s1+$0x0], $0xffff  }
0x479: {  	v28 =	vld.idx.msk [tilespmem:v12+s1+$0x0], $0xffff  }
0x47a: {  	v29 =	vld.idx.msk [tilespmem:v13+s1+$0x0], $0xffff  }
0x47b: {  	v30 =	vld.idx.msk [tilespmem:v14+s1+$0x0], $0xffff  }
0x47c: {  	v31 =	vld.idx.msk [tilespmem:v15+s1+$0x0], $0xffff  }
0x47d: {  	v32 =	vld.idx.msk [tilespmem:v16+s1+$0x0], $0xffff  }
0x47e: {  	v17 =	vld.idx.msk [tilespmem:v17+s20+$0x0], $0xffff  }
0x47f: {  	v1 =	vld.idx.msk [tilespmem:v1+s20+$0x0], $0xffff  }
0x480: {  	v2 =	vld.idx.msk [tilespmem:v2+s20+$0x0], $0xffff  }
0x481: {  	v3 =	vld.idx.msk [tilespmem:v3+s20+$0x0], $0xffff  }
0x482: {  	v4 =	vld.idx.msk [tilespmem:v4+s20+$0x0], $0xffff  }
0x483: {  	v5 =	vld.idx.msk [tilespmem:v5+s20+$0x0], $0xffff  }
0x484: {  	v58 =	vld.idx.msk [tilespmem:v6+s20+$0x0], $0xffff  }
0x485: {  	v61 =	vld.idx.msk [tilespmem:v7+s20+$0x0], $0xffff;
	v8 =	vmul.f32 v8, v9  }
0x486: {  	v63 =	vld.idx.msk [tilespmem:v10+s20+$0x0], $0xffff;
	v9 =	vmul.f32 v18, v34  }
0x487: {  	v6 =	vld.idx.msk [tilespmem:v11+s20+$0x0], $0xffff;
	v55 =	vmul.f32 v20, v36;
	v0 =	vadd.f32 v0, v8  }
0x488: {  	s15 =	simm.s32 $0x14180;
	v7 =	vld.idx.msk [tilespmem:v12+s20+$0x0], $0xffff;
	v56 =	vmul.f32 v21, v37;
	v1 =	vadd.f32 v1, v9  }
0x489: {  	v43 =	vld [tilespmem:s14+$0x20];
	v57 =	vmul.f32 v22, v38;
	v59 =	vmul.f32 v23, v39;
	v3 =	vadd.f32 v3, v55;
	[tilespmem:s15+$0x70] =	vst v0  }
0x48a: {  	v44 =	vld [tilespmem:s14+$0x30];
	v60 =	vmul.f32 v24, v40;
	v8 =	vmul.f32 v25, v33;
	v9 =	vadd.f32 v4, v56;
	[tilespmem:s15+$0xFFFFFF90] =	vst v1  }
0x48b: {  	v47 =	vld [tilespmem:s14+$0x60];
	v62 =	vmul.f32 v26, v41;
	v10 =	vadd.f32 v5, v57;
	v4 =	vmul.f32 v30, v45;
	[tilespmem:s15+$0xFFFFFFB0] =	vst v3  }
0x48c: {  	v11 =	vadd.f32 v58, v59;
	v0 =	vmul.f32 v19, v35;
	v8 =	vadd.f32 v17, v8;
	[tilespmem:s15+$0xFFFFFFC0] =	vst v9  }
0x48d: {  	v5 =	vmul.f32 v31, v46;
	v12 =	vadd.f32 v63, v62;
	v9 =	vld.idx.msk [tilespmem:v14+s20+$0x0], $0xffff;
	[tilespmem:s15+$0xFFFFFFD0] =	vst v10  }
0x48e: {  	v1 =	vmul.f32 v28, v43;
	[tilespmem:s15+$0xFFFFFF80] =	vst v8;
	v2 =	vadd.f32 v2, v0;
	v8 =	vld.idx.msk [tilespmem:v13+s20+$0x0], $0xffff  }
0x48f: {  	v10 =	vld.idx.msk [tilespmem:v15+s20+$0x0], $0xffff;
	[tilespmem:s15+$0xFFFFFFE0] =	vst v11;
	v0 =	vmul.f32 v27, v42;
	v13 =	vadd.f32 v61, v60  }
0x490: {  	s16 =	simm.s32 $0x0;
	s17 =	simm.s32 $0xC280;
	v3 =	vmul.f32 v32, v47;
	v11 =	vld.idx.msk [tilespmem:v16+s20+$0x0], $0xffff;
	[tilespmem:s15+$0xFFFFFFA0] =	vst v2;
	v2 =	vmul.f32 v29, v44  }
.LBB2_16:
0x491: {  	v14 =	vld [tilespmem:s17+$0x70];
	s16 =	sadd.s32 $0x100, s16;
	[tilespmem:s15+$0xFFFFFFF0] =	vst v13;
	v0 =	vadd.f32 v6, v0  }
0x492: {  	v1 =	vadd.f32 v7, v1;
	v6 =	vld [tilespmem:s17+$0xFFFFFF90];
	p0 =	slt.u32 s16, $0x3F00;
	[tilespmem:s15+$0x0] =	vst v12  }
0x493: {  	v7 =	vld [tilespmem:s17+$0xFFFFFFA0];
	[tilespmem:s15+$0x10] =	vst v0;
	v0 =	vadd.f32 v8, v2  }
0x494: {  	v8 =	vld [tilespmem:s17+$0xFFFFFFB0];
	[tilespmem:s15+$0x20] =	vst v1;
	v1 =	vadd.f32 v9, v4  }
0x495: {  	v9 =	vld [tilespmem:s17+$0xFFFFFFC0];
	[tilespmem:s15+$0x30] =	vst v0;
	v0 =	vadd.f32 v10, v5  }
0x496: {  	v10 =	vld [tilespmem:s17+$0xFFFFFFD0];
	[tilespmem:s15+$0x40] =	vst v1;
	v1 =	vadd.f32 v11, v3  }
0x497: {  	v11 =	vld [tilespmem:s17+$0xFFFFFFE0];
	[tilespmem:s15+$0x50] =	vst v0  }
0x498: {  	v12 =	vld [tilespmem:s17+$0xFFFFFFF0];
	[tilespmem:s15+$0x60] =	vst v1  }
0x499: {  	s14 =	sadd.s32 $0x100, s14;
	v0 =	vld.idx.msk [tilespmem:v14+s1+$0x0], $0xffff  }
0x49a: {  	v1 =	vld [tilespmem:s14+$0x70]  }
0x49b: {  	v2 =	vld.idx.msk [tilespmem:v14+s20+$0x0], $0xffff  }
0x49c: {  	v13 =	vld [tilespmem:s17+$0x0]  }
0x49d: {  	v14 =	vld [tilespmem:s17+$0x10]  }
0x49e: {  	v15 =	vld [tilespmem:s17+$0x20]  }
0x49f: {  	v16 =	vld [tilespmem:s17+$0x30];
	v0 =	vmul.f32 v0, v1  }
0x4a0: {  	v17 =	vld [tilespmem:s17+$0x40]  }
0x4a1: {  	v18 =	vld [tilespmem:s17+$0x50];
	v0 =	vadd.f32 v2, v0  }
0x4a2: {  	s15 =	sadd.s32 $0x100, s15;
	v19 =	vld [tilespmem:s17+$0x60]  }
0x4a3: {  	v1 =	vld [tilespmem:s17+$0xFFFFFF80];
	[tilespmem:s15+$0x70] =	vst v0  }
0x4a4: {  	v0 =	vld.idx.msk [tilespmem:v6+s1+$0x0], $0xffff  }
0x4a5: {  	v2 =	vld.idx.msk [tilespmem:v7+s1+$0x0], $0xffff  }
0x4a6: {  	v3 =	vld.idx.msk [tilespmem:v8+s1+$0x0], $0xffff  }
0x4a7: {  	v4 =	vld.idx.msk [tilespmem:v9+s1+$0x0], $0xffff  }
0x4a8: {  	v5 =	vld.idx.msk [tilespmem:v10+s1+$0x0], $0xffff  }
0x4a9: {  	v20 =	vld.idx.msk [tilespmem:v11+s1+$0x0], $0xffff  }
0x4aa: {  	v21 =	vld.idx.msk [tilespmem:v12+s1+$0x0], $0xffff  }
0x4ab: {  	v22 =	vld.idx.msk [tilespmem:v1+s1+$0x0], $0xffff  }
0x4ac: {  	v23 =	vld.idx.msk [tilespmem:v13+s1+$0x0], $0xffff  }
0x4ad: {  	v24 =	vld.idx.msk [tilespmem:v14+s1+$0x0], $0xffff  }
0x4ae: {  	v25 =	vld.idx.msk [tilespmem:v15+s1+$0x0], $0xffff  }
0x4af: {  	v26 =	vld.idx.msk [tilespmem:v16+s1+$0x0], $0xffff  }
0x4b0: {  	v27 =	vld.idx.msk [tilespmem:v17+s1+$0x0], $0xffff  }
0x4b1: {  	v28 =	vld.idx.msk [tilespmem:v18+s1+$0x0], $0xffff  }
0x4b2: {  	v29 =	vld.idx.msk [tilespmem:v19+s1+$0x0], $0xffff  }
0x4b3: {  	v30 =	vld [tilespmem:s14+$0xFFFFFF80]  }
0x4b4: {  	v31 =	vld [tilespmem:s14+$0xFFFFFF90]  }
0x4b5: {  	v32 =	vld [tilespmem:s14+$0xFFFFFFA0]  }
0x4b6: {  	v33 =	vld [tilespmem:s14+$0xFFFFFFB0]  }
0x4b7: {  	v34 =	vld [tilespmem:s14+$0xFFFFFFC0]  }
0x4b8: {  	v22 =	vmul.f32 v22, v30;
	v30 =	vld [tilespmem:s14+$0xFFFFFFD0]  }
0x4b9: {  	v31 =	vmul.f32 v0, v31;
	v0 =	vld [tilespmem:s14+$0xFFFFFFE0]  }
0x4ba: {  	v32 =	vmul.f32 v2, v32;
	v2 =	vld [tilespmem:s14+$0xFFFFFFF0]  }
0x4bb: {  	v33 =	vmul.f32 v3, v33;
	v3 =	vld [tilespmem:s14+$0x0]  }
0x4bc: {  	v34 =	vmul.f32 v4, v34;
	v4 =	vld [tilespmem:s14+$0x10]  }
0x4bd: {  	v30 =	vmul.f32 v5, v30;
	v5 =	vld [tilespmem:s14+$0x20]  }
0x4be: {  	v20 =	vmul.f32 v20, v0;
	v35 =	vld [tilespmem:s14+$0x30]  }
0x4bf: {  	v21 =	vmul.f32 v21, v2;
	v36 =	vld [tilespmem:s14+$0x40]  }
0x4c0: {  	v23 =	vmul.f32 v23, v3;
	v3 =	vld [tilespmem:s14+$0x50]  }
0x4c1: {  	v0 =	vmul.f32 v24, v4;
	v24 =	vld [tilespmem:s14+$0x60]  }
0x4c2: {  	v37 =	vld.idx.msk [tilespmem:v1+s20+$0x0], $0xffff;
	v1 =	vmul.f32 v25, v5  }
0x4c3: {  	v6 =	vld.idx.msk [tilespmem:v6+s20+$0x0], $0xffff;
	v2 =	vmul.f32 v26, v35  }
0x4c4: {  	v7 =	vld.idx.msk [tilespmem:v7+s20+$0x0], $0xffff;
	v4 =	vmul.f32 v27, v36  }
0x4c5: {  	v8 =	vld.idx.msk [tilespmem:v8+s20+$0x0], $0xffff;
	v5 =	vmul.f32 v28, v3  }
0x4c6: {  	v9 =	vld.idx.msk [tilespmem:v9+s20+$0x0], $0xffff;
	v3 =	vmul.f32 v29, v24  }
0x4c7: {  	v10 =	vld.idx.msk [tilespmem:v10+s20+$0x0], $0xffff  }
0x4c8: {  	v22 =	vadd.f32 v37, v22;
	v11 =	vld.idx.msk [tilespmem:v11+s20+$0x0], $0xffff  }
0x4c9: {  	v6 =	vadd.f32 v6, v31;
	v12 =	vld.idx.msk [tilespmem:v12+s20+$0x0], $0xffff  }
0x4ca: {  	v7 =	vadd.f32 v7, v32;
	[tilespmem:s15+$0xFFFFFF80] =	vst v22;
	v22 =	vld.idx.msk [tilespmem:v13+s20+$0x0], $0xffff  }
0x4cb: {  	v8 =	vadd.f32 v8, v33;
	[tilespmem:s15+$0xFFFFFF90] =	vst v6;
	v6 =	vld.idx.msk [tilespmem:v14+s20+$0x0], $0xffff  }
.Ltmp7:
0x4cc: {  	v9 =	vadd.f32 v9, v34;
	[tilespmem:s15+$0xFFFFFFA0] =	vst v7;
	v7 =	vld.idx.msk [tilespmem:v15+s20+$0x0], $0xffff;
	(pc) =	sbr.rel @p0 .LBB2_16-.Ltmp7, $4  }
0x4cd: {  	v10 =	vadd.f32 v10, v30;
	[tilespmem:s15+$0xFFFFFFB0] =	vst v8;
	v8 =	vld.idx.msk [tilespmem:v16+s20+$0x0], $0xffff  }
0x4ce: {  	v11 =	vadd.f32 v11, v20;
	[tilespmem:s15+$0xFFFFFFC0] =	vst v9;
	v9 =	vld.idx.msk [tilespmem:v17+s20+$0x0], $0xffff  }
0x4cf: {  	v13 =	vadd.f32 v12, v21;
	[tilespmem:s15+$0xFFFFFFD0] =	vst v10;
	v10 =	vld.idx.msk [tilespmem:v18+s20+$0x0], $0xffff  }
0x4d0: {  	s17 =	sadd.s32 $0x100, s17;
	v12 =	vadd.f32 v22, v23;
	[tilespmem:s15+$0xFFFFFFE0] =	vst v11;
	v11 =	vld.idx.msk [tilespmem:v19+s20+$0x0], $0xffff  }
0x4d1: {  	[tilespmem:s15+$0xFFFFFFF0] =	vst v13;
	v0 =	vadd.f32 v6, v0  }
0x4d2: {  	v1 =	vadd.f32 v7, v1;
	[tilespmem:s15+$0x0] =	vst v12  }
0x4d3: {  	v60 =	vadd.f32 v8, v2;
	[tilespmem:s15+$0x10] =	vst v0  }
0x4d4: {  	[tilespmem:s15+$0x20] =	vst v1;
	v61 =	vadd.f32 v9, v4  }
0x4d5: {  	[tilespmem:s15+$0x30] =	vst v60;
	v62 =	vadd.f32 v10, v5  }
0x4d6: {  	[tilespmem:s15+$0x40] =	vst v61;
	v63 =	vadd.f32 v11, v3  }
0x4d7: {  	[tilespmem:s15+$0x50] =	vst v62  }
0x4d8: {  	s13 =	sadd.s32 $0x1, s13;
	[tilespmem:s15+$0x60] =	vst v63  }
0x4d9: {  	[hbm4b:s26+s1] =	stream.linear.scatter [tilespmem:s10], [sflag:$0x6], $0x4000, $0x38;
	[tilespmem:$0x18100] =	vst v63  }
0x4da: {  	p0 =	sne.s32 s13, s30;
	_ =	swait.ge [sflag:s11], $0x4000  }
.Ltmp8:
0x4db: {  	[sflag:s11] =	ssyncset.done $0x0;
	(pc) =	sbr.rel @p0 .LBB2_1-.Ltmp8, $4  }
0x4dc: {  	[sflag:s11] =	ssyncadd.s32 $0xFFFFC000  }
0x4dd: {  	_ =	swait.ge [sflag:s12], $0x4000  }
0x4de: {  	[sflag:s12] =	ssyncset.done $0x0  }
0x4df: {  	[sflag:s12] =	ssyncadd.s32 $0xFFFFC000  }
0x4e0: {  	_ =	sfence.sel $0x180000  }
0x4e1: {  	[bflag:$0x0] =	sbarrier.arrive $0xFFFF  }
0x4e2: {  	_ =	strace $0x90000047  }
0x4e3: {  	s0 =	stileid.u32;
	[bflag:$0x2] =	sbarrier.arrive $0xFFFF  }
0x4e4: {  	p0 =	sne.s32 s0, $0x0;
	s0 =	rddreg [dreg:$0x4]  }
0x4e5: {  	s0 =	sadd.s32 @!p0 $0x100000, s0  }
0x4e6: {  	[sflag:s0] =	ssyncadd.tile.s32 @!p0 $0x1;
	_ =	shalt  }
.Lfunc_end2:
_tile_overlayer_lowered:
.L_overlay_start_2:
0x4e7: {  	(tag) =	ssettag $0x2  }
0x4e8: {  	s0 =	rddreg [dreg:$0x0];
	s2 =	stileid.u32  }
0x4e9: {  	s1 =	rddreg [dreg:$0x1];
	p0 =	sne.s32 s2, $0x0  }
0x4ea: {  	s3 =	rddreg [dreg:$0x2];
	[bflag:$0x3] =	sbarrier.arrive $0xFFFF;
	s2 =	simm.s32 @!p0 $0x1C07  }
0x4eb: {  	[timem:s3], [sflag:s2] =	dma.local @!p0 [hbm:s0], s1  }
0x4ec: {  	s0 =	simm.s32 @!p0 $0x7  }
0x4ed: {  	_ =	swait.ge @!p0 [sflag:s0], s1  }
0x4ee: {  	s1 =	ssub.s32 @!p0 $0x0, s1;
	[sflag:s0] =	ssyncset.done @!p0 $0x0  }
0x4ef: {  	[sflag:s0] =	ssyncadd.s32 @!p0 s1  }
0x4f0: {  	[bflag:$0x3] =	sbarrier.arrive $0xFFFF  }
0x4f1: {  	_ =	shalt  }

</sc_bundles>
